<compile_context>
chip_gen: v7x
topology: tpu7x:2x2x1
jax: 0.10.2.dev20260603
libtpu: 0.0.44.dev20260713+nightly
codegen_flags: <defaults>
</compile_context>

<pallas_src>
import functools

import jax
import jax.numpy as jnp
from jax import lax
from jax.experimental import pallas as pl
from jax.experimental.pallas import tpu as pltpu
from jax.experimental.pallas import tpu_sc as plsc

_B = 16384
_D = 64
_N_FEAT = 26
_FPT = 13
_OC = _FPT * _D

_PERMUTES = tuple(
    (i // _FPT, i % 2, (i % _FPT) * _D, (i // 2) * _D) for i in range(_N_FEAT)
)
_SC_CHUNKS = tuple(p for p in _PERMUTES if p[1] == 0)
_NSC = len(_SC_CHUNKS)

_INFO = plsc.get_sparse_core_info()
_NC = _INFO.num_cores
_NS = _INFO.num_subcores
_NW = _NC * _NS
_CW = _B // _NW

_NBUF = 3

_mesh = plsc.VectorSubcoreMesh(core_axis_name="c", subcore_axis_name="s")


@functools.partial(
    pl.kernel,
    mesh=_mesh,
    compiler_params=pltpu.CompilerParams(use_tc_tiling_on_sc=True),
    out_type=jax.ShapeDtypeStruct((_OC, _B), jnp.float32),
    scratch_types=(
        [pltpu.VMEM((_D, _CW), jnp.float32) for _ in range(_NBUF)]
        + [pltpu.SemaphoreType.DMA for _ in range(2 * _NBUF)]
    ),
)
def _permute_sc(v0, v1, o0, buf0, buf1, buf2, sg0, sg1, sg2, ss0, ss1, ss2):
    bufs = (buf0, buf1, buf2)
    sem_g = (sg0, sg1, sg2)
    sem_s = (ss0, ss1, ss2)
    ins = (v0, v1)

    wid = lax.axis_index("s") * _NC + lax.axis_index("c")
    cols = pl.ds(wid * _CW, _CW)

    def g_copy(f, s):
        ii, _, istart, _ = _SC_CHUNKS[f]
        return pltpu.make_async_copy(
            ins[ii].at[pl.ds(istart, _D), cols], bufs[s], sem_g[s]
        )

    def s_copy(f, s):
        _, _, _, ostart = _SC_CHUNKS[f]
        return pltpu.make_async_copy(
            bufs[s], o0.at[pl.ds(ostart, _D), cols], sem_s[s]
        )

    g_copy(0, 0).start()
    g_copy(1, 1).start()
    for f in range(_NSC):
        s = f % _NBUF
        g_copy(f, s).wait()
        s_copy(f, s).start()
        if f + 2 < _NSC:
            nxt = (f + 2) % _NBUF
            if f - 1 >= 0:
                s_copy(f - 1, nxt).wait()
            g_copy(f + 2, nxt).start()
    s_copy(_NSC - 2, (_NSC - 2) % _NBUF).wait()
    s_copy(_NSC - 1, (_NSC - 1) % _NBUF).wait()


def _tc_body(v0_ref, v1_ref, o_ref):
    j = pl.program_id(0)

    @pl.when(j < 6)
    def _():
        o_ref[...] = v0_ref[...]

    @pl.when(j >= 6)
    def _():
        o_ref[...] = v1_ref[...]


def _tc_out1(v0t, v1t):
    return pl.pallas_call(
        _tc_body,
        grid=(_FPT,),
        in_specs=[
            pl.BlockSpec(
                (_D, _B), lambda j: (jnp.where(j < 6, 2 * j + 1, 11), 0)
            ),
            pl.BlockSpec(
                (_D, _B), lambda j: (jnp.where(j < 6, 0, 2 * (j - 6)), 0)
            ),
        ],
        out_specs=pl.BlockSpec((_D, _B), lambda j: (j, 0)),
        out_shape=jax.ShapeDtypeStruct((_OC, _B), jnp.float32),
        compiler_params=pltpu.CompilerParams(
            dimension_semantics=("arbitrary",)
        ),
    )(v0t, v1t)


@jax.jit
def kernel(values_0, values_1):
    v0t = values_0.T
    v1t = values_1.T
    o0t = _permute_sc(v0t, v1t)
    o1t = _tc_out1(v0t, v1t)
    return o0t.T, o1t.T

# --- scband reference (transcript-rebuilt; emitter-appended) ---
"""Pipeline reference for scband-permute-multi-embedding-77395310673937 (READ-ONLY COPY).

The authoritative reference and input builder live on the scoring server;
editing this copy changes nothing except your own understanding.
"""

import jax, jax.numpy as jnp
import numpy as np

B = 16384
D = 64
N_FEAT = 26
FEATS_PER_TENSOR = 13
OUT_COLS = FEATS_PER_TENSOR * D  # 832


def _build_permutes():
    # Rows mirror fbgemm.permute_multi_embedding spec:
    # (in_tensor_idx, out_tensor_idx, in_start, out_start, length)
    # Input tensor 0 holds features f0..f12, tensor 1 holds f13..f25.
    # Output group 0 = even features, group 1 = odd features.
    rows = []
    for i in range(N_FEAT):
        in_idx = 0 if i < FEATS_PER_TENSOR else 1
        in_start = (i % FEATS_PER_TENSOR) * D
        out_idx = i % 2
        out_start = (i // 2) * D
        rows.append((in_idx, out_idx, in_start, out_start, D))
    return rows


def setup_inputs(seed: int = 0) -> dict:
    key = jax.random.key(seed)
    k0, k1 = jax.random.split(key)
    values_0 = jax.random.normal(k0, (B, OUT_COLS), dtype=jnp.float32)
    values_1 = jax.random.normal(k1, (B, OUT_COLS), dtype=jnp.float32)
    return {"values_0": values_0, "values_1": values_1}


def reference(values_0, values_1):
    # Faithful translation of torch.ops.fbgemm.permute_multi_embedding:
    # copies column slices from input KT tensors into regrouped output tensors.
    vals = [values_0, values_1]
    n_rows = values_0.shape[0]
    outs = [jnp.zeros((n_rows, OUT_COLS), dtype=values_0.dtype) for _ in range(2)]
    for (in_idx, out_idx, in_start, out_start, length) in _build_permutes():
        sl = jax.lax.dynamic_slice(vals[in_idx], (0, in_start), (n_rows, length))
        outs[out_idx] = outs[out_idx].at[:, out_start:out_start + length].set(sl)
    return tuple(outs)

if __name__ == "__main__":
    import jax
    _d = setup_inputs()
    print(jax.jit(kernel)(*tuple(_d.values())))

</pallas_src>

<mosaic_0001>
#map = affine_map<(d0, d1) -> (0, 0)>
module attributes {stable_mosaic.version = 14 : i64} {
  func.func @_permute_sc(%arg0: i32, %arg1: i32, %arg2: memref<832x16384xf32, #tpu.memory_space<hbm>>, %arg3: memref<832x16384xf32, #tpu.memory_space<hbm>>, %arg4: memref<832x16384xf32, #tpu.memory_space<hbm>>, %arg5: memref<64x512xf32, #tpu.memory_space<vmem>>, %arg6: memref<64x512xf32, #tpu.memory_space<vmem>>, %arg7: memref<64x512xf32, #tpu.memory_space<vmem>>, %arg8: memref<!tpu.dma_semaphore, #tpu.memory_space<semaphore_mem>>, %arg9: memref<!tpu.dma_semaphore, #tpu.memory_space<semaphore_mem>>, %arg10: memref<!tpu.dma_semaphore, #tpu.memory_space<semaphore_mem>>, %arg11: memref<!tpu.dma_semaphore, #tpu.memory_space<semaphore_mem>>, %arg12: memref<!tpu.dma_semaphore, #tpu.memory_space<semaphore_mem>>, %arg13: memref<!tpu.dma_semaphore, #tpu.memory_space<semaphore_mem>>) attributes {dimension_semantics = [#tpu.dimension_semantics<core_parallel>, #tpu.dimension_semantics<subcore_parallel>], iteration_bounds = array<i64: 2, 16>, scalar_prefetch = 0 : i64, scratch_operands = 9 : i64, tpu.core_type = #tpu.core_type<sc_vector_subcore>, window_params = [{transform_indices = #map}, {transform_indices = #map}, {transform_indices = #map}]} {
    %mul3A = arith.constant 2 : i32
    %mul3A_0 = arith.muli %arg1, %mul3A : i32
    %add3A = arith.addi %mul3A_0, %arg0 : i32
    %mul3A_1 = arith.constant 512 : i32
    %mul3A_2 = arith.muli %add3A, %mul3A_1 : i32
    %dma_start3A = arith.constant 0 : i32
    %dma_start3A_3 = tpu.memref_slice %arg2[%dma_start3A, %mul3A_2] : memref<832x16384xf32, #tpu.memory_space<hbm>> -> memref<64x512xf32, #tpu.memory_space<hbm>>
    %dma_start3A_4 = arith.constant 0 : i32
    %dma_start3A_5 = tpu.memref_slice %arg2[%dma_start3A_4, %mul3A_2] : memref<832x16384xf32, #tpu.memory_space<hbm>> -> memref<64x512xf32, #tpu.memory_space<hbm>>
    tpu.enqueue_dma source(%dma_start3A_5 : memref<64x512xf32, #tpu.memory_space<hbm>>) target(%arg5 : memref<64x512xf32, #tpu.memory_space<vmem>>) target_semaphore(%arg8 : memref<!tpu.dma_semaphore, #tpu.memory_space<semaphore_mem>>)
    %dma_start3A_6 = arith.constant 128 : i32
    %dma_start3A_7 = tpu.memref_slice %arg2[%dma_start3A_6, %mul3A_2] : memref<832x16384xf32, #tpu.memory_space<hbm>> -> memref<64x512xf32, #tpu.memory_space<hbm>>
    %dma_start3A_8 = arith.constant 128 : i32
    %dma_start3A_9 = tpu.memref_slice %arg2[%dma_start3A_8, %mul3A_2] : memref<832x16384xf32, #tpu.memory_space<hbm>> -> memref<64x512xf32, #tpu.memory_space<hbm>>
    tpu.enqueue_dma source(%dma_start3A_9 : memref<64x512xf32, #tpu.memory_space<hbm>>) target(%arg6 : memref<64x512xf32, #tpu.memory_space<vmem>>) target_semaphore(%arg9 : memref<!tpu.dma_semaphore, #tpu.memory_space<semaphore_mem>>)
    %dma_wait3A = arith.constant 0 : i32
    %dma_wait3A_10 = tpu.memref_slice %arg2[%dma_wait3A, %mul3A_2] : memref<832x16384xf32, #tpu.memory_space<hbm>> -> memref<64x512xf32, #tpu.memory_space<hbm>>
    %dma_wait3A_11 = arith.constant 0 : i32
    %dma_wait3A_12 = tpu.memref_slice %arg2[%dma_wait3A_11, %mul3A_2] : memref<832x16384xf32, #tpu.memory_space<hbm>> -> memref<64x512xf32, #tpu.memory_space<hbm>>
    tpu.wait_dma2 semaphore(%arg8 : memref<!tpu.dma_semaphore, #tpu.memory_space<semaphore_mem>>) src(%dma_wait3A_12 : memref<64x512xf32, #tpu.memory_space<hbm>>) dst(%arg5 : memref<64x512xf32, #tpu.memory_space<vmem>>)
    %dma_start3A_13 = arith.constant 0 : i32
    %dma_start3A_14 = tpu.memref_slice %arg4[%dma_start3A_13, %mul3A_2] : memref<832x16384xf32, #tpu.memory_space<hbm>> -> memref<64x512xf32, #tpu.memory_space<hbm>>
    %dma_start3A_15 = arith.constant 0 : i32
    %dma_start3A_16 = tpu.memref_slice %arg4[%dma_start3A_15, %mul3A_2] : memref<832x16384xf32, #tpu.memory_space<hbm>> -> memref<64x512xf32, #tpu.memory_space<hbm>>
    tpu.enqueue_dma source(%arg5 : memref<64x512xf32, #tpu.memory_space<vmem>>) target(%dma_start3A_16 : memref<64x512xf32, #tpu.memory_space<hbm>>) target_semaphore(%arg11 : memref<!tpu.dma_semaphore, #tpu.memory_space<semaphore_mem>>)
    %dma_start3A_17 = arith.constant 256 : i32
    %dma_start3A_18 = tpu.memref_slice %arg2[%dma_start3A_17, %mul3A_2] : memref<832x16384xf32, #tpu.memory_space<hbm>> -> memref<64x512xf32, #tpu.memory_space<hbm>>
    %dma_start3A_19 = arith.constant 256 : i32
    %dma_start3A_20 = tpu.memref_slice %arg2[%dma_start3A_19, %mul3A_2] : memref<832x16384xf32, #tpu.memory_space<hbm>> -> memref<64x512xf32, #tpu.memory_space<hbm>>
    tpu.enqueue_dma source(%dma_start3A_20 : memref<64x512xf32, #tpu.memory_space<hbm>>) target(%arg7 : memref<64x512xf32, #tpu.memory_space<vmem>>) target_semaphore(%arg10 : memref<!tpu.dma_semaphore, #tpu.memory_space<semaphore_mem>>)
    %dma_wait3A_21 = arith.constant 128 : i32
    %dma_wait3A_22 = tpu.memref_slice %arg2[%dma_wait3A_21, %mul3A_2] : memref<832x16384xf32, #tpu.memory_space<hbm>> -> memref<64x512xf32, #tpu.memory_space<hbm>>
    %dma_wait3A_23 = arith.constant 128 : i32
    %dma_wait3A_24 = tpu.memref_slice %arg2[%dma_wait3A_23, %mul3A_2] : memref<832x16384xf32, #tpu.memory_space<hbm>> -> memref<64x512xf32, #tpu.memory_space<hbm>>
    tpu.wait_dma2 semaphore(%arg9 : memref<!tpu.dma_semaphore, #tpu.memory_space<semaphore_mem>>) src(%dma_wait3A_24 : memref<64x512xf32, #tpu.memory_space<hbm>>) dst(%arg6 : memref<64x512xf32, #tpu.memory_space<vmem>>)
    %dma_start3A_25 = arith.constant 64 : i32
    %dma_start3A_26 = tpu.memref_slice %arg4[%dma_start3A_25, %mul3A_2] : memref<832x16384xf32, #tpu.memory_space<hbm>> -> memref<64x512xf32, #tpu.memory_space<hbm>>
    %dma_start3A_27 = arith.constant 64 : i32
    %dma_start3A_28 = tpu.memref_slice %arg4[%dma_start3A_27, %mul3A_2] : memref<832x16384xf32, #tpu.memory_space<hbm>> -> memref<64x512xf32, #tpu.memory_space<hbm>>
    tpu.enqueue_dma source(%arg6 : memref<64x512xf32, #tpu.memory_space<vmem>>) target(%dma_start3A_28 : memref<64x512xf32, #tpu.memory_space<hbm>>) target_semaphore(%arg12 : memref<!tpu.dma_semaphore, #tpu.memory_space<semaphore_mem>>)
    %dma_wait3A_29 = arith.constant 0 : i32
    %dma_wait3A_30 = tpu.memref_slice %arg4[%dma_wait3A_29, %mul3A_2] : memref<832x16384xf32, #tpu.memory_space<hbm>> -> memref<64x512xf32, #tpu.memory_space<hbm>>
    %dma_wait3A_31 = arith.constant 0 : i32
    %dma_wait3A_32 = tpu.memref_slice %arg4[%dma_wait3A_31, %mul3A_2] : memref<832x16384xf32, #tpu.memory_space<hbm>> -> memref<64x512xf32, #tpu.memory_space<hbm>>
    tpu.wait_dma2 semaphore(%arg11 : memref<!tpu.dma_semaphore, #tpu.memory_space<semaphore_mem>>) src(%arg5 : memref<64x512xf32, #tpu.memory_space<vmem>>) dst(%dma_wait3A_32 : memref<64x512xf32, #tpu.memory_space<hbm>>)
    %dma_start3A_33 = arith.constant 384 : i32
    %dma_start3A_34 = tpu.memref_slice %arg2[%dma_start3A_33, %mul3A_2] : memref<832x16384xf32, #tpu.memory_space<hbm>> -> memref<64x512xf32, #tpu.memory_space<hbm>>
    %dma_start3A_35 = arith.constant 384 : i32
    %dma_start3A_36 = tpu.memref_slice %arg2[%dma_start3A_35, %mul3A_2] : memref<832x16384xf32, #tpu.memory_space<hbm>> -> memref<64x512xf32, #tpu.memory_space<hbm>>
    tpu.enqueue_dma source(%dma_start3A_36 : memref<64x512xf32, #tpu.memory_space<hbm>>) target(%arg5 : memref<64x512xf32, #tpu.memory_space<vmem>>) target_semaphore(%arg8 : memref<!tpu.dma_semaphore, #tpu.memory_space<semaphore_mem>>)
    %dma_wait3A_37 = arith.constant 256 : i32
    %dma_wait3A_38 = tpu.memref_slice %arg2[%dma_wait3A_37, %mul3A_2] : memref<832x16384xf32, #tpu.memory_space<hbm>> -> memref<64x512xf32, #tpu.memory_space<hbm>>
    %dma_wait3A_39 = arith.constant 256 : i32
    %dma_wait3A_40 = tpu.memref_slice %arg2[%dma_wait3A_39, %mul3A_2] : memref<832x16384xf32, #tpu.memory_space<hbm>> -> memref<64x512xf32, #tpu.memory_space<hbm>>
    tpu.wait_dma2 semaphore(%arg10 : memref<!tpu.dma_semaphore, #tpu.memory_space<semaphore_mem>>) src(%dma_wait3A_40 : memref<64x512xf32, #tpu.memory_space<hbm>>) dst(%arg7 : memref<64x512xf32, #tpu.memory_space<vmem>>)
    %dma_start3A_41 = arith.constant 128 : i32
    %dma_start3A_42 = tpu.memref_slice %arg4[%dma_start3A_41, %mul3A_2] : memref<832x16384xf32, #tpu.memory_space<hbm>> -> memref<64x512xf32, #tpu.memory_space<hbm>>
    %dma_start3A_43 = arith.constant 128 : i32
    %dma_start3A_44 = tpu.memref_slice %arg4[%dma_start3A_43, %mul3A_2] : memref<832x16384xf32, #tpu.memory_space<hbm>> -> memref<64x512xf32, #tpu.memory_space<hbm>>
    tpu.enqueue_dma source(%arg7 : memref<64x512xf32, #tpu.memory_space<vmem>>) target(%dma_start3A_44 : memref<64x512xf32, #tpu.memory_space<hbm>>) target_semaphore(%arg13 : memref<!tpu.dma_semaphore, #tpu.memory_space<semaphore_mem>>)
    %dma_wait3A_45 = arith.constant 64 : i32
    %dma_wait3A_46 = tpu.memref_slice %arg4[%dma_wait3A_45, %mul3A_2] : memref<832x16384xf32, #tpu.memory_space<hbm>> -> memref<64x512xf32, #tpu.memory_space<hbm>>
    %dma_wait3A_47 = arith.constant 64 : i32
    %dma_wait3A_48 = tpu.memref_slice %arg4[%dma_wait3A_47, %mul3A_2] : memref<832x16384xf32, #tpu.memory_space<hbm>> -> memref<64x512xf32, #tpu.memory_space<hbm>>
    tpu.wait_dma2 semaphore(%arg12 : memref<!tpu.dma_semaphore, #tpu.memory_space<semaphore_mem>>) src(%arg6 : memref<64x512xf32, #tpu.memory_space<vmem>>) dst(%dma_wait3A_48 : memref<64x512xf32, #tpu.memory_space<hbm>>)
    %dma_start3A_49 = arith.constant 512 : i32
    %dma_start3A_50 = tpu.memref_slice %arg2[%dma_start3A_49, %mul3A_2] : memref<832x16384xf32, #tpu.memory_space<hbm>> -> memref<64x512xf32, #tpu.memory_space<hbm>>
    %dma_start3A_51 = arith.constant 512 : i32
    %dma_start3A_52 = tpu.memref_slice %arg2[%dma_start3A_51, %mul3A_2] : memref<832x16384xf32, #tpu.memory_space<hbm>> -> memref<64x512xf32, #tpu.memory_space<hbm>>
    tpu.enqueue_dma source(%dma_start3A_52 : memref<64x512xf32, #tpu.memory_space<hbm>>) target(%arg6 : memref<64x512xf32, #tpu.memory_space<vmem>>) target_semaphore(%arg9 : memref<!tpu.dma_semaphore, #tpu.memory_space<semaphore_mem>>)
    %dma_wait3A_53 = arith.constant 384 : i32
    %dma_wait3A_54 = tpu.memref_slice %arg2[%dma_wait3A_53, %mul3A_2] : memref<832x16384xf32, #tpu.memory_space<hbm>> -> memref<64x512xf32, #tpu.memory_space<hbm>>
    %dma_wait3A_55 = arith.constant 384 : i32
    %dma_wait3A_56 = tpu.memref_slice %arg2[%dma_wait3A_55, %mul3A_2] : memref<832x16384xf32, #tpu.memory_space<hbm>> -> memref<64x512xf32, #tpu.memory_space<hbm>>
    tpu.wait_dma2 semaphore(%arg8 : memref<!tpu.dma_semaphore, #tpu.memory_space<semaphore_mem>>) src(%dma_wait3A_56 : memref<64x512xf32, #tpu.memory_space<hbm>>) dst(%arg5 : memref<64x512xf32, #tpu.memory_space<vmem>>)
    %dma_start3A_57 = arith.constant 192 : i32
    %dma_start3A_58 = tpu.memref_slice %arg4[%dma_start3A_57, %mul3A_2] : memref<832x16384xf32, #tpu.memory_space<hbm>> -> memref<64x512xf32, #tpu.memory_space<hbm>>
    %dma_start3A_59 = arith.constant 192 : i32
    %dma_start3A_60 = tpu.memref_slice %arg4[%dma_start3A_59, %mul3A_2] : memref<832x16384xf32, #tpu.memory_space<hbm>> -> memref<64x512xf32, #tpu.memory_space<hbm>>
    tpu.enqueue_dma source(%arg5 : memref<64x512xf32, #tpu.memory_space<vmem>>) target(%dma_start3A_60 : memref<64x512xf32, #tpu.memory_space<hbm>>) target_semaphore(%arg11 : memref<!tpu.dma_semaphore, #tpu.memory_space<semaphore_mem>>)
    %dma_wait3A_61 = arith.constant 128 : i32
    %dma_wait3A_62 = tpu.memref_slice %arg4[%dma_wait3A_61, %mul3A_2] : memref<832x16384xf32, #tpu.memory_space<hbm>> -> memref<64x512xf32, #tpu.memory_space<hbm>>
    %dma_wait3A_63 = arith.constant 128 : i32
    %dma_wait3A_64 = tpu.memref_slice %arg4[%dma_wait3A_63, %mul3A_2] : memref<832x16384xf32, #tpu.memory_space<hbm>> -> memref<64x512xf32, #tpu.memory_space<hbm>>
    tpu.wait_dma2 semaphore(%arg13 : memref<!tpu.dma_semaphore, #tpu.memory_space<semaphore_mem>>) src(%arg7 : memref<64x512xf32, #tpu.memory_space<vmem>>) dst(%dma_wait3A_64 : memref<64x512xf32, #tpu.memory_space<hbm>>)
    %dma_start3A_65 = arith.constant 640 : i32
    %dma_start3A_66 = tpu.memref_slice %arg2[%dma_start3A_65, %mul3A_2] : memref<832x16384xf32, #tpu.memory_space<hbm>> -> memref<64x512xf32, #tpu.memory_space<hbm>>
    %dma_start3A_67 = arith.constant 640 : i32
    %dma_start3A_68 = tpu.memref_slice %arg2[%dma_start3A_67, %mul3A_2] : memref<832x16384xf32, #tpu.memory_space<hbm>> -> memref<64x512xf32, #tpu.memory_space<hbm>>
    tpu.enqueue_dma source(%dma_start3A_68 : memref<64x512xf32, #tpu.memory_space<hbm>>) target(%arg7 : memref<64x512xf32, #tpu.memory_space<vmem>>) target_semaphore(%arg10 : memref<!tpu.dma_semaphore, #tpu.memory_space<semaphore_mem>>)
    %dma_wait3A_69 = arith.constant 512 : i32
    %dma_wait3A_70 = tpu.memref_slice %arg2[%dma_wait3A_69, %mul3A_2] : memref<832x16384xf32, #tpu.memory_space<hbm>> -> memref<64x512xf32, #tpu.memory_space<hbm>>
    %dma_wait3A_71 = arith.constant 512 : i32
    %dma_wait3A_72 = tpu.memref_slice %arg2[%dma_wait3A_71, %mul3A_2] : memref<832x16384xf32, #tpu.memory_space<hbm>> -> memref<64x512xf32, #tpu.memory_space<hbm>>
    tpu.wait_dma2 semaphore(%arg9 : memref<!tpu.dma_semaphore, #tpu.memory_space<semaphore_mem>>) src(%dma_wait3A_72 : memref<64x512xf32, #tpu.memory_space<hbm>>) dst(%arg6 : memref<64x512xf32, #tpu.memory_space<vmem>>)
    %dma_start3A_73 = arith.constant 256 : i32
    %dma_start3A_74 = tpu.memref_slice %arg4[%dma_start3A_73, %mul3A_2] : memref<832x16384xf32, #tpu.memory_space<hbm>> -> memref<64x512xf32, #tpu.memory_space<hbm>>
    %dma_start3A_75 = arith.constant 256 : i32
    %dma_start3A_76 = tpu.memref_slice %arg4[%dma_start3A_75, %mul3A_2] : memref<832x16384xf32, #tpu.memory_space<hbm>> -> memref<64x512xf32, #tpu.memory_space<hbm>>
    tpu.enqueue_dma source(%arg6 : memref<64x512xf32, #tpu.memory_space<vmem>>) target(%dma_start3A_76 : memref<64x512xf32, #tpu.memory_space<hbm>>) target_semaphore(%arg12 : memref<!tpu.dma_semaphore, #tpu.memory_space<semaphore_mem>>)
    %dma_wait3A_77 = arith.constant 192 : i32
    %dma_wait3A_78 = tpu.memref_slice %arg4[%dma_wait3A_77, %mul3A_2] : memref<832x16384xf32, #tpu.memory_space<hbm>> -> memref<64x512xf32, #tpu.memory_space<hbm>>
    %dma_wait3A_79 = arith.constant 192 : i32
    %dma_wait3A_80 = tpu.memref_slice %arg4[%dma_wait3A_79, %mul3A_2] : memref<832x16384xf32, #tpu.memory_space<hbm>> -> memref<64x512xf32, #tpu.memory_space<hbm>>
    tpu.wait_dma2 semaphore(%arg11 : memref<!tpu.dma_semaphore, #tpu.memory_space<semaphore_mem>>) src(%arg5 : memref<64x512xf32, #tpu.memory_space<vmem>>) dst(%dma_wait3A_80 : memref<64x512xf32, #tpu.memory_space<hbm>>)
    %dma_start3A_81 = arith.constant 768 : i32
    %dma_start3A_82 = tpu.memref_slice %arg2[%dma_start3A_81, %mul3A_2] : memref<832x16384xf32, #tpu.memory_space<hbm>> -> memref<64x512xf32, #tpu.memory_space<hbm>>
    %dma_start3A_83 = arith.constant 768 : i32
    %dma_start3A_84 = tpu.memref_slice %arg2[%dma_start3A_83, %mul3A_2] : memref<832x16384xf32, #tpu.memory_space<hbm>> -> memref<64x512xf32, #tpu.memory_space<hbm>>
    tpu.enqueue_dma source(%dma_start3A_84 : memref<64x512xf32, #tpu.memory_space<hbm>>) target(%arg5 : memref<64x512xf32, #tpu.memory_space<vmem>>) target_semaphore(%arg8 : memref<!tpu.dma_semaphore, #tpu.memory_space<semaphore_mem>>)
    %dma_wait3A_85 = arith.constant 640 : i32
    %dma_wait3A_86 = tpu.memref_slice %arg2[%dma_wait3A_85, %mul3A_2] : memref<832x16384xf32, #tpu.memory_space<hbm>> -> memref<64x512xf32, #tpu.memory_space<hbm>>
    %dma_wait3A_87 = arith.constant 640 : i32
    %dma_wait3A_88 = tpu.memref_slice %arg2[%dma_wait3A_87, %mul3A_2] : memref<832x16384xf32, #tpu.memory_space<hbm>> -> memref<64x512xf32, #tpu.memory_space<hbm>>
    tpu.wait_dma2 semaphore(%arg10 : memref<!tpu.dma_semaphore, #tpu.memory_space<semaphore_mem>>) src(%dma_wait3A_88 : memref<64x512xf32, #tpu.memory_space<hbm>>) dst(%arg7 : memref<64x512xf32, #tpu.memory_space<vmem>>)
    %dma_start3A_89 = arith.constant 320 : i32
    %dma_start3A_90 = tpu.memref_slice %arg4[%dma_start3A_89, %mul3A_2] : memref<832x16384xf32, #tpu.memory_space<hbm>> -> memref<64x512xf32, #tpu.memory_space<hbm>>
    %dma_start3A_91 = arith.constant 320 : i32
    %dma_start3A_92 = tpu.memref_slice %arg4[%dma_start3A_91, %mul3A_2] : memref<832x16384xf32, #tpu.memory_space<hbm>> -> memref<64x512xf32, #tpu.memory_space<hbm>>
    tpu.enqueue_dma source(%arg7 : memref<64x512xf32, #tpu.memory_space<vmem>>) target(%dma_start3A_92 : memref<64x512xf32, #tpu.memory_space<hbm>>) target_semaphore(%arg13 : memref<!tpu.dma_semaphore, #tpu.memory_space<semaphore_mem>>)
    %dma_wait3A_93 = arith.constant 256 : i32
    %dma_wait3A_94 = tpu.memref_slice %arg4[%dma_wait3A_93, %mul3A_2] : memref<832x16384xf32, #tpu.memory_space<hbm>> -> memref<64x512xf32, #tpu.memory_space<hbm>>
    %dma_wait3A_95 = arith.constant 256 : i32
    %dma_wait3A_96 = tpu.memref_slice %arg4[%dma_wait3A_95, %mul3A_2] : memref<832x16384xf32, #tpu.memory_space<hbm>> -> memref<64x512xf32, #tpu.memory_space<hbm>>
    tpu.wait_dma2 semaphore(%arg12 : memref<!tpu.dma_semaphore, #tpu.memory_space<semaphore_mem>>) src(%arg6 : memref<64x512xf32, #tpu.memory_space<vmem>>) dst(%dma_wait3A_96 : memref<64x512xf32, #tpu.memory_space<hbm>>)
    %dma_start3A_97 = arith.constant 64 : i32
    %dma_start3A_98 = tpu.memref_slice %arg3[%dma_start3A_97, %mul3A_2] : memref<832x16384xf32, #tpu.memory_space<hbm>> -> memref<64x512xf32, #tpu.memory_space<hbm>>
    %dma_start3A_99 = arith.constant 64 : i32
    %dma_start3A_100 = tpu.memref_slice %arg3[%dma_start3A_99, %mul3A_2] : memref<832x16384xf32, #tpu.memory_space<hbm>> -> memref<64x512xf32, #tpu.memory_space<hbm>>
    tpu.enqueue_dma source(%dma_start3A_100 : memref<64x512xf32, #tpu.memory_space<hbm>>) target(%arg6 : memref<64x512xf32, #tpu.memory_space<vmem>>) target_semaphore(%arg9 : memref<!tpu.dma_semaphore, #tpu.memory_space<semaphore_mem>>)
    %dma_wait3A_101 = arith.constant 768 : i32
    %dma_wait3A_102 = tpu.memref_slice %arg2[%dma_wait3A_101, %mul3A_2] : memref<832x16384xf32, #tpu.memory_space<hbm>> -> memref<64x512xf32, #tpu.memory_space<hbm>>
    %dma_wait3A_103 = arith.constant 768 : i32
    %dma_wait3A_104 = tpu.memref_slice %arg2[%dma_wait3A_103, %mul3A_2] : memref<832x16384xf32, #tpu.memory_space<hbm>> -> memref<64x512xf32, #tpu.memory_space<hbm>>
    tpu.wait_dma2 semaphore(%arg8 : memref<!tpu.dma_semaphore, #tpu.memory_space<semaphore_mem>>) src(%dma_wait3A_104 : memref<64x512xf32, #tpu.memory_space<hbm>>) dst(%arg5 : memref<64x512xf32, #tpu.memory_space<vmem>>)
    %dma_start3A_105 = arith.constant 384 : i32
    %dma_start3A_106 = tpu.memref_slice %arg4[%dma_start3A_105, %mul3A_2] : memref<832x16384xf32, #tpu.memory_space<hbm>> -> memref<64x512xf32, #tpu.memory_space<hbm>>
    %dma_start3A_107 = arith.constant 384 : i32
    %dma_start3A_108 = tpu.memref_slice %arg4[%dma_start3A_107, %mul3A_2] : memref<832x16384xf32, #tpu.memory_space<hbm>> -> memref<64x512xf32, #tpu.memory_space<hbm>>
    tpu.enqueue_dma source(%arg5 : memref<64x512xf32, #tpu.memory_space<vmem>>) target(%dma_start3A_108 : memref<64x512xf32, #tpu.memory_space<hbm>>) target_semaphore(%arg11 : memref<!tpu.dma_semaphore, #tpu.memory_space<semaphore_mem>>)
    %dma_wait3A_109 = arith.constant 320 : i32
    %dma_wait3A_110 = tpu.memref_slice %arg4[%dma_wait3A_109, %mul3A_2] : memref<832x16384xf32, #tpu.memory_space<hbm>> -> memref<64x512xf32, #tpu.memory_space<hbm>>
    %dma_wait3A_111 = arith.constant 320 : i32
    %dma_wait3A_112 = tpu.memref_slice %arg4[%dma_wait3A_111, %mul3A_2] : memref<832x16384xf32, #tpu.memory_space<hbm>> -> memref<64x512xf32, #tpu.memory_space<hbm>>
    tpu.wait_dma2 semaphore(%arg13 : memref<!tpu.dma_semaphore, #tpu.memory_space<semaphore_mem>>) src(%arg7 : memref<64x512xf32, #tpu.memory_space<vmem>>) dst(%dma_wait3A_112 : memref<64x512xf32, #tpu.memory_space<hbm>>)
    %dma_start3A_113 = arith.constant 192 : i32
    %dma_start3A_114 = tpu.memref_slice %arg3[%dma_start3A_113, %mul3A_2] : memref<832x16384xf32, #tpu.memory_space<hbm>> -> memref<64x512xf32, #tpu.memory_space<hbm>>
    %dma_start3A_115 = arith.constant 192 : i32
    %dma_start3A_116 = tpu.memref_slice %arg3[%dma_start3A_115, %mul3A_2] : memref<832x16384xf32, #tpu.memory_space<hbm>> -> memref<64x512xf32, #tpu.memory_space<hbm>>
    tpu.enqueue_dma source(%dma_start3A_116 : memref<64x512xf32, #tpu.memory_space<hbm>>) target(%arg7 : memref<64x512xf32, #tpu.memory_space<vmem>>) target_semaphore(%arg10 : memref<!tpu.dma_semaphore, #tpu.memory_space<semaphore_mem>>)
    %dma_wait3A_117 = arith.constant 64 : i32
    %dma_wait3A_118 = tpu.memref_slice %arg3[%dma_wait3A_117, %mul3A_2] : memref<832x16384xf32, #tpu.memory_space<hbm>> -> memref<64x512xf32, #tpu.memory_space<hbm>>
    %dma_wait3A_119 = arith.constant 64 : i32
    %dma_wait3A_120 = tpu.memref_slice %arg3[%dma_wait3A_119, %mul3A_2] : memref<832x16384xf32, #tpu.memory_space<hbm>> -> memref<64x512xf32, #tpu.memory_space<hbm>>
    tpu.wait_dma2 semaphore(%arg9 : memref<!tpu.dma_semaphore, #tpu.memory_space<semaphore_mem>>) src(%dma_wait3A_120 : memref<64x512xf32, #tpu.memory_space<hbm>>) dst(%arg6 : memref<64x512xf32, #tpu.memory_space<vmem>>)
    %dma_start3A_121 = arith.constant 448 : i32
    %dma_start3A_122 = tpu.memref_slice %arg4[%dma_start3A_121, %mul3A_2] : memref<832x16384xf32, #tpu.memory_space<hbm>> -> memref<64x512xf32, #tpu.memory_space<hbm>>
    %dma_start3A_123 = arith.constant 448 : i32
    %dma_start3A_124 = tpu.memref_slice %arg4[%dma_start3A_123, %mul3A_2] : memref<832x16384xf32, #tpu.memory_space<hbm>> -> memref<64x512xf32, #tpu.memory_space<hbm>>
    tpu.enqueue_dma source(%arg6 : memref<64x512xf32, #tpu.memory_space<vmem>>) target(%dma_start3A_124 : memref<64x512xf32, #tpu.memory_space<hbm>>) target_semaphore(%arg12 : memref<!tpu.dma_semaphore, #tpu.memory_space<semaphore_mem>>)
    %dma_wait3A_125 = arith.constant 384 : i32
    %dma_wait3A_126 = tpu.memref_slice %arg4[%dma_wait3A_125, %mul3A_2] : memref<832x16384xf32, #tpu.memory_space<hbm>> -> memref<64x512xf32, #tpu.memory_space<hbm>>
    %dma_wait3A_127 = arith.constant 384 : i32
    %dma_wait3A_128 = tpu.memref_slice %arg4[%dma_wait3A_127, %mul3A_2] : memref<832x16384xf32, #tpu.memory_space<hbm>> -> memref<64x512xf32, #tpu.memory_space<hbm>>
    tpu.wait_dma2 semaphore(%arg11 : memref<!tpu.dma_semaphore, #tpu.memory_space<semaphore_mem>>) src(%arg5 : memref<64x512xf32, #tpu.memory_space<vmem>>) dst(%dma_wait3A_128 : memref<64x512xf32, #tpu.memory_space<hbm>>)
    %dma_start3A_129 = arith.constant 320 : i32
    %dma_start3A_130 = tpu.memref_slice %arg3[%dma_start3A_129, %mul3A_2] : memref<832x16384xf32, #tpu.memory_space<hbm>> -> memref<64x512xf32, #tpu.memory_space<hbm>>
    %dma_start3A_131 = arith.constant 320 : i32
    %dma_start3A_132 = tpu.memref_slice %arg3[%dma_start3A_131, %mul3A_2] : memref<832x16384xf32, #tpu.memory_space<hbm>> -> memref<64x512xf32, #tpu.memory_space<hbm>>
    tpu.enqueue_dma source(%dma_start3A_132 : memref<64x512xf32, #tpu.memory_space<hbm>>) target(%arg5 : memref<64x512xf32, #tpu.memory_space<vmem>>) target_semaphore(%arg8 : memref<!tpu.dma_semaphore, #tpu.memory_space<semaphore_mem>>)
    %dma_wait3A_133 = arith.constant 192 : i32
    %dma_wait3A_134 = tpu.memref_slice %arg3[%dma_wait3A_133, %mul3A_2] : memref<832x16384xf32, #tpu.memory_space<hbm>> -> memref<64x512xf32, #tpu.memory_space<hbm>>
    %dma_wait3A_135 = arith.constant 192 : i32
    %dma_wait3A_136 = tpu.memref_slice %arg3[%dma_wait3A_135, %mul3A_2] : memref<832x16384xf32, #tpu.memory_space<hbm>> -> memref<64x512xf32, #tpu.memory_space<hbm>>
    tpu.wait_dma2 semaphore(%arg10 : memref<!tpu.dma_semaphore, #tpu.memory_space<semaphore_mem>>) src(%dma_wait3A_136 : memref<64x512xf32, #tpu.memory_space<hbm>>) dst(%arg7 : memref<64x512xf32, #tpu.memory_space<vmem>>)
    %dma_start3A_137 = arith.constant 512 : i32
    %dma_start3A_138 = tpu.memref_slice %arg4[%dma_start3A_137, %mul3A_2] : memref<832x16384xf32, #tpu.memory_space<hbm>> -> memref<64x512xf32, #tpu.memory_space<hbm>>
    %dma_start3A_139 = arith.constant 512 : i32
    %dma_start3A_140 = tpu.memref_slice %arg4[%dma_start3A_139, %mul3A_2] : memref<832x16384xf32, #tpu.memory_space<hbm>> -> memref<64x512xf32, #tpu.memory_space<hbm>>
    tpu.enqueue_dma source(%arg7 : memref<64x512xf32, #tpu.memory_space<vmem>>) target(%dma_start3A_140 : memref<64x512xf32, #tpu.memory_space<hbm>>) target_semaphore(%arg13 : memref<!tpu.dma_semaphore, #tpu.memory_space<semaphore_mem>>)
    %dma_wait3A_141 = arith.constant 448 : i32
    %dma_wait3A_142 = tpu.memref_slice %arg4[%dma_wait3A_141, %mul3A_2] : memref<832x16384xf32, #tpu.memory_space<hbm>> -> memref<64x512xf32, #tpu.memory_space<hbm>>
    %dma_wait3A_143 = arith.constant 448 : i32
    %dma_wait3A_144 = tpu.memref_slice %arg4[%dma_wait3A_143, %mul3A_2] : memref<832x16384xf32, #tpu.memory_space<hbm>> -> memref<64x512xf32, #tpu.memory_space<hbm>>
    tpu.wait_dma2 semaphore(%arg12 : memref<!tpu.dma_semaphore, #tpu.memory_space<semaphore_mem>>) src(%arg6 : memref<64x512xf32, #tpu.memory_space<vmem>>) dst(%dma_wait3A_144 : memref<64x512xf32, #tpu.memory_space<hbm>>)
    %dma_start3A_145 = arith.constant 448 : i32
    %dma_start3A_146 = tpu.memref_slice %arg3[%dma_start3A_145, %mul3A_2] : memref<832x16384xf32, #tpu.memory_space<hbm>> -> memref<64x512xf32, #tpu.memory_space<hbm>>
    %dma_start3A_147 = arith.constant 448 : i32
    %dma_start3A_148 = tpu.memref_slice %arg3[%dma_start3A_147, %mul3A_2] : memref<832x16384xf32, #tpu.memory_space<hbm>> -> memref<64x512xf32, #tpu.memory_space<hbm>>
    tpu.enqueue_dma source(%dma_start3A_148 : memref<64x512xf32, #tpu.memory_space<hbm>>) target(%arg6 : memref<64x512xf32, #tpu.memory_space<vmem>>) target_semaphore(%arg9 : memref<!tpu.dma_semaphore, #tpu.memory_space<semaphore_mem>>)
    %dma_wait3A_149 = arith.constant 320 : i32
    %dma_wait3A_150 = tpu.memref_slice %arg3[%dma_wait3A_149, %mul3A_2] : memref<832x16384xf32, #tpu.memory_space<hbm>> -> memref<64x512xf32, #tpu.memory_space<hbm>>
    %dma_wait3A_151 = arith.constant 320 : i32
    %dma_wait3A_152 = tpu.memref_slice %arg3[%dma_wait3A_151, %mul3A_2] : memref<832x16384xf32, #tpu.memory_space<hbm>> -> memref<64x512xf32, #tpu.memory_space<hbm>>
    tpu.wait_dma2 semaphore(%arg8 : memref<!tpu.dma_semaphore, #tpu.memory_space<semaphore_mem>>) src(%dma_wait3A_152 : memref<64x512xf32, #tpu.memory_space<hbm>>) dst(%arg5 : memref<64x512xf32, #tpu.memory_space<vmem>>)
    %dma_start3A_153 = arith.constant 576 : i32
    %dma_start3A_154 = tpu.memref_slice %arg4[%dma_start3A_153, %mul3A_2] : memref<832x16384xf32, #tpu.memory_space<hbm>> -> memref<64x512xf32, #tpu.memory_space<hbm>>
    %dma_start3A_155 = arith.constant 576 : i32
    %dma_start3A_156 = tpu.memref_slice %arg4[%dma_start3A_155, %mul3A_2] : memref<832x16384xf32, #tpu.memory_space<hbm>> -> memref<64x512xf32, #tpu.memory_space<hbm>>
    tpu.enqueue_dma source(%arg5 : memref<64x512xf32, #tpu.memory_space<vmem>>) target(%dma_start3A_156 : memref<64x512xf32, #tpu.memory_space<hbm>>) target_semaphore(%arg11 : memref<!tpu.dma_semaphore, #tpu.memory_space<semaphore_mem>>)
    %dma_wait3A_157 = arith.constant 512 : i32
    %dma_wait3A_158 = tpu.memref_slice %arg4[%dma_wait3A_157, %mul3A_2] : memref<832x16384xf32, #tpu.memory_space<hbm>> -> memref<64x512xf32, #tpu.memory_space<hbm>>
    %dma_wait3A_159 = arith.constant 512 : i32
    %dma_wait3A_160 = tpu.memref_slice %arg4[%dma_wait3A_159, %mul3A_2] : memref<832x16384xf32, #tpu.memory_space<hbm>> -> memref<64x512xf32, #tpu.memory_space<hbm>>
    tpu.wait_dma2 semaphore(%arg13 : memref<!tpu.dma_semaphore, #tpu.memory_space<semaphore_mem>>) src(%arg7 : memref<64x512xf32, #tpu.memory_space<vmem>>) dst(%dma_wait3A_160 : memref<64x512xf32, #tpu.memory_space<hbm>>)
    %dma_start3A_161 = arith.constant 576 : i32
    %dma_start3A_162 = tpu.memref_slice %arg3[%dma_start3A_161, %mul3A_2] : memref<832x16384xf32, #tpu.memory_space<hbm>> -> memref<64x512xf32, #tpu.memory_space<hbm>>
    %dma_start3A_163 = arith.constant 576 : i32
    %dma_start3A_164 = tpu.memref_slice %arg3[%dma_start3A_163, %mul3A_2] : memref<832x16384xf32, #tpu.memory_space<hbm>> -> memref<64x512xf32, #tpu.memory_space<hbm>>
    tpu.enqueue_dma source(%dma_start3A_164 : memref<64x512xf32, #tpu.memory_space<hbm>>) target(%arg7 : memref<64x512xf32, #tpu.memory_space<vmem>>) target_semaphore(%arg10 : memref<!tpu.dma_semaphore, #tpu.memory_space<semaphore_mem>>)
    %dma_wait3A_165 = arith.constant 448 : i32
    %dma_wait3A_166 = tpu.memref_slice %arg3[%dma_wait3A_165, %mul3A_2] : memref<832x16384xf32, #tpu.memory_space<hbm>> -> memref<64x512xf32, #tpu.memory_space<hbm>>
    %dma_wait3A_167 = arith.constant 448 : i32
    %dma_wait3A_168 = tpu.memref_slice %arg3[%dma_wait3A_167, %mul3A_2] : memref<832x16384xf32, #tpu.memory_space<hbm>> -> memref<64x512xf32, #tpu.memory_space<hbm>>
    tpu.wait_dma2 semaphore(%arg9 : memref<!tpu.dma_semaphore, #tpu.memory_space<semaphore_mem>>) src(%dma_wait3A_168 : memref<64x512xf32, #tpu.memory_space<hbm>>) dst(%arg6 : memref<64x512xf32, #tpu.memory_space<vmem>>)
    %dma_start3A_169 = arith.constant 640 : i32
    %dma_start3A_170 = tpu.memref_slice %arg4[%dma_start3A_169, %mul3A_2] : memref<832x16384xf32, #tpu.memory_space<hbm>> -> memref<64x512xf32, #tpu.memory_space<hbm>>
    %dma_start3A_171 = arith.constant 640 : i32
    %dma_start3A_172 = tpu.memref_slice %arg4[%dma_start3A_171, %mul3A_2] : memref<832x16384xf32, #tpu.memory_space<hbm>> -> memref<64x512xf32, #tpu.memory_space<hbm>>
    tpu.enqueue_dma source(%arg6 : memref<64x512xf32, #tpu.memory_space<vmem>>) target(%dma_start3A_172 : memref<64x512xf32, #tpu.memory_space<hbm>>) target_semaphore(%arg12 : memref<!tpu.dma_semaphore, #tpu.memory_space<semaphore_mem>>)
    %dma_wait3A_173 = arith.constant 576 : i32
    %dma_wait3A_174 = tpu.memref_slice %arg4[%dma_wait3A_173, %mul3A_2] : memref<832x16384xf32, #tpu.memory_space<hbm>> -> memref<64x512xf32, #tpu.memory_space<hbm>>
    %dma_wait3A_175 = arith.constant 576 : i32
    %dma_wait3A_176 = tpu.memref_slice %arg4[%dma_wait3A_175, %mul3A_2] : memref<832x16384xf32, #tpu.memory_space<hbm>> -> memref<64x512xf32, #tpu.memory_space<hbm>>
    tpu.wait_dma2 semaphore(%arg11 : memref<!tpu.dma_semaphore, #tpu.memory_space<semaphore_mem>>) src(%arg5 : memref<64x512xf32, #tpu.memory_space<vmem>>) dst(%dma_wait3A_176 : memref<64x512xf32, #tpu.memory_space<hbm>>)
    %dma_start3A_177 = arith.constant 704 : i32
    %dma_start3A_178 = tpu.memref_slice %arg3[%dma_start3A_177, %mul3A_2] : memref<832x16384xf32, #tpu.memory_space<hbm>> -> memref<64x512xf32, #tpu.memory_space<hbm>>
    %dma_start3A_179 = arith.constant 704 : i32
    %dma_start3A_180 = tpu.memref_slice %arg3[%dma_start3A_179, %mul3A_2] : memref<832x16384xf32, #tpu.memory_space<hbm>> -> memref<64x512xf32, #tpu.memory_space<hbm>>
    tpu.enqueue_dma source(%dma_start3A_180 : memref<64x512xf32, #tpu.memory_space<hbm>>) target(%arg5 : memref<64x512xf32, #tpu.memory_space<vmem>>) target_semaphore(%arg8 : memref<!tpu.dma_semaphore, #tpu.memory_space<semaphore_mem>>)
    %dma_wait3A_181 = arith.constant 576 : i32
    %dma_wait3A_182 = tpu.memref_slice %arg3[%dma_wait3A_181, %mul3A_2] : memref<832x16384xf32, #tpu.memory_space<hbm>> -> memref<64x512xf32, #tpu.memory_space<hbm>>
    %dma_wait3A_183 = arith.constant 576 : i32
    %dma_wait3A_184 = tpu.memref_slice %arg3[%dma_wait3A_183, %mul3A_2] : memref<832x16384xf32, #tpu.memory_space<hbm>> -> memref<64x512xf32, #tpu.memory_space<hbm>>
    tpu.wait_dma2 semaphore(%arg10 : memref<!tpu.dma_semaphore, #tpu.memory_space<semaphore_mem>>) src(%dma_wait3A_184 : memref<64x512xf32, #tpu.memory_space<hbm>>) dst(%arg7 : memref<64x512xf32, #tpu.memory_space<vmem>>)
    %dma_start3A_185 = arith.constant 704 : i32
    %dma_start3A_186 = tpu.memref_slice %arg4[%dma_start3A_185, %mul3A_2] : memref<832x16384xf32, #tpu.memory_space<hbm>> -> memref<64x512xf32, #tpu.memory_space<hbm>>
    %dma_start3A_187 = arith.constant 704 : i32
    %dma_start3A_188 = tpu.memref_slice %arg4[%dma_start3A_187, %mul3A_2] : memref<832x16384xf32, #tpu.memory_space<hbm>> -> memref<64x512xf32, #tpu.memory_space<hbm>>
    tpu.enqueue_dma source(%arg7 : memref<64x512xf32, #tpu.memory_space<vmem>>) target(%dma_start3A_188 : memref<64x512xf32, #tpu.memory_space<hbm>>) target_semaphore(%arg13 : memref<!tpu.dma_semaphore, #tpu.memory_space<semaphore_mem>>)
    %dma_wait3A_189 = arith.constant 704 : i32
    %dma_wait3A_190 = tpu.memref_slice %arg3[%dma_wait3A_189, %mul3A_2] : memref<832x16384xf32, #tpu.memory_space<hbm>> -> memref<64x512xf32, #tpu.memory_space<hbm>>
    %dma_wait3A_191 = arith.constant 704 : i32
    %dma_wait3A_192 = tpu.memref_slice %arg3[%dma_wait3A_191, %mul3A_2] : memref<832x16384xf32, #tpu.memory_space<hbm>> -> memref<64x512xf32, #tpu.memory_space<hbm>>
    tpu.wait_dma2 semaphore(%arg8 : memref<!tpu.dma_semaphore, #tpu.memory_space<semaphore_mem>>) src(%dma_wait3A_192 : memref<64x512xf32, #tpu.memory_space<hbm>>) dst(%arg5 : memref<64x512xf32, #tpu.memory_space<vmem>>)
    %dma_start3A_193 = arith.constant 768 : i32
    %dma_start3A_194 = tpu.memref_slice %arg4[%dma_start3A_193, %mul3A_2] : memref<832x16384xf32, #tpu.memory_space<hbm>> -> memref<64x512xf32, #tpu.memory_space<hbm>>
    %dma_start3A_195 = arith.constant 768 : i32
    %dma_start3A_196 = tpu.memref_slice %arg4[%dma_start3A_195, %mul3A_2] : memref<832x16384xf32, #tpu.memory_space<hbm>> -> memref<64x512xf32, #tpu.memory_space<hbm>>
    tpu.enqueue_dma source(%arg5 : memref<64x512xf32, #tpu.memory_space<vmem>>) target(%dma_start3A_196 : memref<64x512xf32, #tpu.memory_space<hbm>>) target_semaphore(%arg11 : memref<!tpu.dma_semaphore, #tpu.memory_space<semaphore_mem>>)
    %dma_wait3A_197 = arith.constant 704 : i32
    %dma_wait3A_198 = tpu.memref_slice %arg4[%dma_wait3A_197, %mul3A_2] : memref<832x16384xf32, #tpu.memory_space<hbm>> -> memref<64x512xf32, #tpu.memory_space<hbm>>
    %dma_wait3A_199 = arith.constant 704 : i32
    %dma_wait3A_200 = tpu.memref_slice %arg4[%dma_wait3A_199, %mul3A_2] : memref<832x16384xf32, #tpu.memory_space<hbm>> -> memref<64x512xf32, #tpu.memory_space<hbm>>
    tpu.wait_dma2 semaphore(%arg13 : memref<!tpu.dma_semaphore, #tpu.memory_space<semaphore_mem>>) src(%arg7 : memref<64x512xf32, #tpu.memory_space<vmem>>) dst(%dma_wait3A_200 : memref<64x512xf32, #tpu.memory_space<hbm>>)
    %dma_wait3A_201 = arith.constant 768 : i32
    %dma_wait3A_202 = tpu.memref_slice %arg4[%dma_wait3A_201, %mul3A_2] : memref<832x16384xf32, #tpu.memory_space<hbm>> -> memref<64x512xf32, #tpu.memory_space<hbm>>
    %dma_wait3A_203 = arith.constant 768 : i32
    %dma_wait3A_204 = tpu.memref_slice %arg4[%dma_wait3A_203, %mul3A_2] : memref<832x16384xf32, #tpu.memory_space<hbm>> -> memref<64x512xf32, #tpu.memory_space<hbm>>
    tpu.wait_dma2 semaphore(%arg11 : memref<!tpu.dma_semaphore, #tpu.memory_space<semaphore_mem>>) src(%arg5 : memref<64x512xf32, #tpu.memory_space<vmem>>) dst(%dma_wait3A_204 : memref<64x512xf32, #tpu.memory_space<hbm>>)
    return
  }
}

module attributes {stable_mosaic.version = 14 : i64} {
  func.func @_tc_body(%arg0: i32, %arg1: memref<64x16384xf32, #tpu.memory_space<vmem>>, %arg2: memref<64x16384xf32, #tpu.memory_space<vmem>>, %arg3: memref<64x16384xf32, #tpu.memory_space<vmem>>) attributes {dimension_semantics = [#tpu.dimension_semantics<arbitrary>], iteration_bounds = array<i64: 13>, scalar_prefetch = 0 : i64, scratch_operands = 0 : i64, tpu.core_type = #tpu.core_type<tc>, window_params = [{transform_indices = @transform_0, window_bounds = array<i64: 64, 16384>}, {transform_indices = @transform_1, window_bounds = array<i64: 64, 16384>}, {transform_indices = @transform_2, window_bounds = array<i64: 64, 16384>}]} {
    %lt3A = arith.constant 6 : i32
    %lt3A_0 = arith.cmpi slt, %arg0, %lt3A : i32
    %convert_element_type3A = arith.extui %lt3A_0 : i1 to i32
    %cond3A = arith.constant 0 : i32
    %cond3A_1 = arith.cmpi ne, %convert_element_type3A, %cond3A : i32
    scf.if %cond3A_1 {
      %get3A = arith.constant 0 : index
      %get3A_6 = arith.constant 0 : index
      %get3A_7 = vector.load %arg1[%get3A, %get3A_6] : memref<64x16384xf32, #tpu.memory_space<vmem>>, vector<64x16384xf32>
      %swap3A = arith.constant 0 : index
      %swap3A_8 = arith.constant 0 : index
      %swap3A_9 = vector.load %arg3[%swap3A, %swap3A_8] : memref<64x16384xf32, #tpu.memory_space<vmem>>, vector<64x16384xf32>
      tpu.vector_store %arg3[%swap3A, %swap3A_8], %get3A_7 {strides = array<i32>} : memref<64x16384xf32, #tpu.memory_space<vmem>>, vector<64x16384xf32>,
    } else {
    }
    %ge3A = arith.constant 6 : i32
    %ge3A_2 = arith.cmpi sge, %arg0, %ge3A : i32
    %convert_element_type3A_3 = arith.extui %ge3A_2 : i1 to i32
    %cond3A_4 = arith.constant 0 : i32
    %cond3A_5 = arith.cmpi ne, %convert_element_type3A_3, %cond3A_4 : i32
    scf.if %cond3A_5 {
      %get3A = arith.constant 0 : index
      %get3A_6 = arith.constant 0 : index
      %get3A_7 = vector.load %arg2[%get3A, %get3A_6] : memref<64x16384xf32, #tpu.memory_space<vmem>>, vector<64x16384xf32>
      %swap3A = arith.constant 0 : index
      %swap3A_8 = arith.constant 0 : index
      %swap3A_9 = vector.load %arg3[%swap3A, %swap3A_8] : memref<64x16384xf32, #tpu.memory_space<vmem>>, vector<64x16384xf32>
      tpu.vector_store %arg3[%swap3A, %swap3A_8], %get3A_7 {strides = array<i32>} : memref<64x16384xf32, #tpu.memory_space<vmem>>, vector<64x16384xf32>,
    } else {
    }
    return
  }
  func.func @transform_0(%arg0: i32) -> (i32, i32) {
    %lt3A = arith.constant 6 : i32
    %lt3A_0 = arith.cmpi slt, %arg0, %lt3A : i32
    %mul3A = arith.constant 2 : i32
    %mul3A_1 = arith.muli %mul3A, %arg0 : i32
    %add3A = arith.constant 1 : i32
    %add3A_2 = arith.addi %mul3A_1, %add3A : i32
    %jit3A = arith.constant 11 : i32
    %select_n3A = arith.select %lt3A_0, %add3A_2, %jit3A : i32
    %c0_i32 = arith.constant 0 : i32
    %c0_i32_3 = arith.constant 0 : i32
    return %select_n3A, %c0_i32 : i32, i32
  }
  func.func @transform_1(%arg0: i32) -> (i32, i32) {
    %lt3A = arith.constant 6 : i32
    %lt3A_0 = arith.cmpi slt, %arg0, %lt3A : i32
    %sub3A = arith.constant 6 : i32
    %sub3A_1 = arith.subi %arg0, %sub3A : i32
    %mul3A = arith.constant 2 : i32
    %mul3A_2 = arith.muli %mul3A, %sub3A_1 : i32
    %jit3A = arith.constant 0 : i32
    %select_n3A = arith.select %lt3A_0, %jit3A, %mul3A_2 : i32
    %c0_i32 = arith.constant 0 : i32
    %c0_i32_3 = arith.constant 0 : i32
    return %select_n3A, %c0_i32 : i32, i32
  }
  func.func @transform_2(%arg0: i32) -> (i32, i32) {
    %c0_i32 = arith.constant 0 : i32
    %c0_i32_0 = arith.constant 0 : i32
    return %arg0, %c0_i32 : i32, i32
  }
}

</mosaic_0001>

<sc_bundles>
// kernel: kernel.4.cloned.1.call-start
scs
__scs_entry_jumppad:
0x0: {  	(pc) =	sbr.rel $0x88, $3  }
0x1: {  	(tag) =	ssettag $0x0;
	lr =	simm.s32 $0x1  }
0x2: {  	[smem:$0x3F9F] =	sst lr;
	_ =	strace $0xD0000000  }
0x3: {  	_ = 	snop  }
0x4: {  	_ = 	snop  }
0x5: {  	_ = 	snop  }
0x6: {  	_ = 	snop  }
0x7: {  	_ = 	snop  }
__scs_overlays_trampoline_lowered:
0x8: {  	[smem:$0x3FAE] =	sst s0  }
0x9: {  	[smem:$0x3FAF] =	sst s1  }
0xa: {  	[smem:$0x3FB0] =	sst s2  }
0xb: {  	[smem:$0x3FB1] =	sst s3  }
0xc: {  	[smem:$0x3FB2] =	sst s4  }
0xd: {  	[smem:$0x3FB3] =	sst s5  }
0xe: {  	[smem:$0x3FB4] =	sst s6  }
0xf: {  	[smem:$0x3FB5] =	sst s7  }
0x10: {  	[smem:$0x3FB6] =	sst s8  }
0x11: {  	[smem:$0x3FB7] =	sst s9;
	s0 =	simm.s32 @!p0 $0x0  }
0x12: {  	s1 =	sld [smem:$0x3F9D];
	s0 =	simm.s32 @p0 $0x1  }
0x13: {  	[smem:$0x3FB8] =	sst s0;
	s0 =	simm.s32 @!p1 $0x0  }
0x14: {  	s2 =	sld [smem:$0x3F9C];
	s0 =	simm.s32 @p1 $0x1  }
0x15: {  	[smem:$0x3FB9] =	sst s0;
	s0 =	simm.s32 @!p2 $0x0  }
0x16: {  	s3 =	sld [smem:$0x3FDB];
	s0 =	simm.s32 @p2 $0x1  }
0x17: {  	s4 =	simm.s32 $0x1BF5;
	[smem:$0x3FBB] =	sst s0  }
0x18: {  	s0 =	sld [smem:$0x3F9E];
	_ =	swait.ge [sflag:s4], $0x0  }
0x19: {  	s7 =	sld [smem:$0x3F9F]  }
0x1a: {  	s8 =	sadd.s32 $0xFFFFE003, lr  }
0x1b: {  	s9 =	sadd.s32 $0xFFFFFEF7, lr;
	s5 =	simm.s32 $0xFFFFFFFF;
	p2 =	slt.u32 s8, $0xFFFFF086  }
0x1c: {  	p1 =	slt.u32 s9, $0xF7A;
	s5 =	simm.s32 @!p2 $0x0  }
0x1d: {  	s5 =	simm.s32 @p1 $0x1;
	p0 =	seq.s32 s7, s2  }
0x1e: {  	s7 =	smul.u32 @!p0 $0xF7A, s2;
	p2 =	seq.s32 @!p0 s5, $0x0  }
0x1f: {  	s9 =	smul.u32 $0xF7A, s1;
	s8 =	simm.s32 @!p0 $0x1BF5;
	p2 =	por !p2, p0  }
0x20: {  	[sflag:s8] =	ssyncset.s32 @!p0 $0xFFFFF086;
	s6 =	sadd.s32 @!p0 s3, s7;
	s7 =	simm.s32 @!p0 $0x108  }
0x21: {  	s3 =	sadd.s32 s3, s9;
	s6 =	sadd.s32 @!p0 $0x88, s6;
	s7 =	simm.s32 @p2 $0x1082  }
0x22: {  	[simem:s7], [sflag:s8] =	dma.local @!p0 [hbm:s6], $0xF7A  }
0x23: {  	s9 =	sor.u32 $0xD0000000, s2;
	s6 =	simm.s32 $0x108;
	_ =	swait.ge @!p0 [sflag:s8], $0x0  }
0x24: {  	s3 =	sadd.s32 $0x88, s3;
	s6 =	simm.s32 @!p1 $0x1082;
	[sflag:s4] =	ssyncset.s32 $0xFFFFF086  }
0x25: {  	[simem:s6], [sflag:s4] =	dma.local [hbm:s3], $0xF7A  }
0x26: {  	[smem:$0x3F9F] =	sst s1;
	(tag) =	ssettag s2;
	_ =	strace s9  }
0x27: {  	s1 =	sld [smem:$0x3FAF]  }
0x28: {  	s2 =	sld [smem:$0x3FB0]  }
0x29: {  	s4 =	sld [smem:$0x3FB2]  }
0x2a: {  	p0 =	seq.s32 s5, $0x0;
	s5 =	sld [smem:$0x3FB3]  }
0x2b: {  	s6 =	sld [smem:$0x3FB4]  }
0x2c: {  	s7 =	sld [smem:$0x3FB5]  }
0x2d: {  	s3 =	simm.s32 $0x108;
	s8 =	sld [smem:$0x3FB6]  }
0x2e: {  	s3 =	simm.s32 @!p0 $0x1082;
	s9 =	sld [smem:$0x3FB7]  }
0x2f: {  	lr =	sadd.s32 s0, s3;
	s0 =	sld [smem:$0x3FAE]  }
0x30: {  	s3 =	sld [smem:$0x3FB1]  }
0x31: {  	[smem:$0x3FBA] =	sst s10  }
0x32: {  	s10 =	sld [smem:$0x3FB8];
	_ =	sdelay $0x3  }
0x33: {  	p0 =	seq.s32 s10, $0x1;
	s10 =	sld [smem:$0x3FBA];
	_ =	sdelay $0x3  }
0x34: {  	[smem:$0x3FBA] =	sst s10  }
0x35: {  	s10 =	sld [smem:$0x3FB9];
	_ =	sdelay $0x3  }
0x36: {  	p1 =	seq.s32 s10, $0x1;
	s10 =	sld [smem:$0x3FBA];
	_ =	sdelay $0x3  }
0x37: {  	[smem:$0x3FBA] =	sst s10  }
0x38: {  	s10 =	sld [smem:$0x3FBB]  }
0x39: {  	_ = 	snop;
	(pc) =	sbr.ind lr, $3  }
0x3a: {  	_ = 	snop  }
0x3b: {  	_ = 	snop  }
0x3c: {  	p2 =	seq.s32 s10, $0x1;
	s10 =	sld [smem:$0x3FBA]  }
0x3d: {  	_ =	shalt  }
0x3e: {  	_ =	shalt  }
0x3f: {  	_ =	shalt  }
0x40: {  	_ =	shalt  }
0x41: {  	_ =	shalt  }
0x42: {  	_ =	shalt  }
0x43: {  	_ =	shalt  }
0x44: {  	_ =	shalt  }
0x45: {  	_ =	shalt  }
0x46: {  	_ =	shalt  }
0x47: {  	_ =	shalt  }
0x48: {  	_ =	shalt  }
0x49: {  	_ =	shalt  }
0x4a: {  	_ =	shalt  }
0x4b: {  	_ =	shalt  }
0x4c: {  	_ =	shalt  }
0x4d: {  	_ =	shalt  }
0x4e: {  	_ =	shalt  }
0x4f: {  	_ =	shalt  }
0x50: {  	_ =	shalt  }
0x51: {  	_ =	shalt  }
0x52: {  	_ =	shalt  }
0x53: {  	_ =	shalt  }
0x54: {  	_ =	shalt  }
0x55: {  	_ =	shalt  }
0x56: {  	_ =	shalt  }
0x57: {  	_ =	shalt  }
0x58: {  	_ =	shalt  }
0x59: {  	_ =	shalt  }
0x5a: {  	_ =	shalt  }
0x5b: {  	_ =	shalt  }
0x5c: {  	_ =	shalt  }
0x5d: {  	_ =	shalt  }
0x5e: {  	_ =	shalt  }
0x5f: {  	_ =	shalt  }
0x60: {  	_ =	shalt  }
0x61: {  	_ =	shalt  }
0x62: {  	_ =	shalt  }
0x63: {  	_ =	shalt  }
0x64: {  	_ =	shalt  }
0x65: {  	_ =	shalt  }
0x66: {  	_ =	shalt  }
0x67: {  	_ =	shalt  }
0x68: {  	_ =	shalt  }
0x69: {  	_ =	shalt  }
0x6a: {  	_ =	shalt  }
0x6b: {  	_ =	shalt  }
0x6c: {  	_ =	shalt  }
0x6d: {  	_ =	shalt  }
0x6e: {  	_ =	shalt  }
0x6f: {  	_ =	shalt  }
0x70: {  	_ =	shalt  }
0x71: {  	_ =	shalt  }
0x72: {  	_ =	shalt  }
0x73: {  	_ =	shalt  }
0x74: {  	_ =	shalt  }
0x75: {  	_ =	shalt  }
0x76: {  	_ =	shalt  }
0x77: {  	_ =	shalt  }
0x78: {  	_ =	shalt  }
0x79: {  	_ =	shalt  }
0x7a: {  	_ =	shalt  }
0x7b: {  	_ =	shalt  }
0x7c: {  	_ =	shalt  }
0x7d: {  	_ =	shalt  }
0x7e: {  	_ =	shalt  }
0x7f: {  	_ =	shalt  }
0x80: {  	_ =	shalt  }
0x81: {  	_ =	shalt  }
0x82: {  	_ =	shalt  }
0x83: {  	_ =	shalt  }
0x84: {  	_ =	shalt  }
0x85: {  	_ =	shalt  }
0x86: {  	_ =	shalt  }
0x87: {  	_ =	shalt  }
.Lfunc_end0:
.L_simem_size_0:
called_computation_lowered:
.L_overlay_start_0:
0x88: {  	s2 =	sld [smem:$0x3FD9]  }
0x89: {  	s3 =	sld [smem:$0x3FFE];
	_ =	sdelay $0x1  }
0x8a: {  	s1 =	srdreg.scid  }
0x8b: {  	s0 =	sand.u32 $0x1, s1  }
0x8c: {  	s15 =	sshll.u32 s0, $0xA;
	s2 =	sadd.s32 s3, s2  }
0x8d: {  	s2 =	sadd.s32 s2, s15  }
0x8e: {  	[smem:$0x3FC6] =	sst s2  }
0x8f: {  	_ = 	snop  }
0x90: {  	s2 =	sld [smem:$0x3FD0];
	_ =	sdelay $0x1  }
0x91: {  	s16 =	sld [smem:$0x3FC9]  }
0x92: {  	s5 =	simm.s32 $0xA;
	s6 =	simm.s32 $0x10;
	s4 =	sld [smem:$0x3FC8]  }
0x93: {  	[smem:s6], [sflag:s5] =	dma.local [hbm:s2], $0x1  }
0x94: {  	_ =	swait.eq [sflag:s5], $0x1  }
0x95: {  	[sflag:s5] =	ssyncset.done $0x0  }
0x96: {  	[sflag:s5] =	ssyncadd.s32 $0xFFFFFFFF  }
0x97: {  	s17 =	sld [smem:$0x10];
	(tm) =	ssettm $0x1  }
0x98: {  	s18 =	sld [smem:$0x3FFB];
	_ =	sdelay $0x3  }
0x99: {  	_ =	strace s18  }
0x9a: {  	s5 =	sld [smem:$0x3FFC];
	_ =	sdelay $0x3  }
0x9b: {  	_ =	strace s5  }
0x9c: {  	s5 =	sld [smem:$0x3FFD];
	_ =	sdelay $0x3  }
0x9d: {  	_ =	strace s5  }
0x9e: {  	_ =	strace $0x8FFFFFFF  }
0x9f: {  	s19 =	sld [smem:$0x3FDB];
	_ =	sdelay $0x1  }
0xa0: {  	s20 =	simm.s32 $_scs_section_size  }
0xa1: {  	s7 =	simm.s32 $_size__tile_overlayer_lowered;
	s8 =	simm.s32 $_tile_overlayer_lowered  }
0xa2: {  	s23 =	simm.s32 $0x1BFF;
	s22 =	sshll.u32 s8, $0x1;
	s5 =	sadd.s32 s20, s19  }
0xa3: {  	s9 =	simm.s32 $0x0;
	s21 =	sshll.u32 s7, $0x1;
	s7 =	sadd.s32 s22, s5  }
0xa4: {  	[timem:s9], [sflag:s23] =	dma.local [hbm:s7], s21  }
0xa5: {  	_ =	swait.ge [sflag:s23], s21  }
0xa6: {  	s6 =	ssub.s32 $0x0, s21;
	[sflag:s23] =	ssyncset.done $0x0  }
0xa7: {  	[sflag:s23] =	ssyncadd.s32 s6;
	_ =	sdelay $0x1  }
0xa8: {  	s24 =	simm.s32 $0x1B8B  }
0xa9: {  	_ =	swait.ge [sflag:s24], $0x1  }
0xaa: {  	[sflag:s24] =	ssyncset.done $0x0  }
0xab: {  	s25 =	simm.s32 $0x1B8E;
	[sflag:s24] =	ssyncadd.s32 $0xFFFFFFFF  }
0xac: {  	s26 =	simm.s32 $execute0_lowered;
	[smem:$0x3FD2] =	sst s25  }
0xad: {  	s6 =	sshll.u32 s26, $0x1;
	_ =	strace $0x80000046;
	[dreg:$0x1] =	wrdreg $0xFFFFFFFF  }
0xae: {  	s28 =	simm.s32 $_size_execute0_lowered;
	s5 =	sadd.s32 s5, s6;
	[dreg:$0x0] =	wrdreg $0x0  }
0xaf: {  	s6 =	sshll.u32 s28, $0x1;
	[dreg:$0x2] =	wrdreg s5  }
0xb0: {  	[dreg:$0x3] =	wrdreg s6  }
0xb1: {  	[dreg:$0x4] =	wrdreg $0xC0  }
0xb2: {  	_ =	task [dreg:s9], $0x5FFFF  }
0xb3: {  	[dreg:$0x1] =	wrdreg $0xFFFFFFFF  }
0xb4: {  	[dreg:$0x0] =	wrdreg $0x60  }
0xb5: {  	[dreg:$0x2] =	wrdreg s16  }
0xb6: {  	[dreg:$0x3] =	wrdreg s4  }
0xb7: {  	[dreg:$0x4] =	wrdreg s17  }
0xb8: {  	[dreg:$0x5] =	wrdreg $0x9  }
0xb9: {  	_ =	task.clear_ibuf [dreg:s9], $0x6FFFF;
	_ =	strace $0x90000046  }
0xba: {  	s29 =	simm.s32 $0x9;
	_ =	strace $0x80000048  }
0xbb: {  	_ =	swait.ge [sflag:s29], $0x1  }
0xbc: {  	[sflag:s29] =	ssyncadd.s32 $0xFFFFFFFF  }
0xbd: {  	_ =	strace $0x90000048  }
0xbe: {  	_ =	sfence  }
0xbf: {  	s30 =	sld [smem:$0x0];
	_ =	sdelay $0x2  }
0xc0: {  	s31 =	sshll.u32 s1, $0xD;
	s1 =	sshrl.u32 s1, $0x2  }
0xc1: {  	s3 =	sand.u32 $0x4000, s31;
	s1 =	sadd.s32 s1, s30  }
0xc2: {  	s0 =	sor.u32 s3, s0;
	s1 =	sshll.u32 s1, $0x11  }
0xc3: {  	s0 =	sor.u32 s1, s0  }
0xc4: {  	s0 =	sadd.s32 $0x8F2B, s0  }
0xc5: {  	[sflag:s0] =	ssyncadd.remote.s32 $0x1  }
0xc6: {  	_ =	sfence.sel $0xFFFF  }
0xc7: {  	[dreg:$0x0] =	wrdreg $0xFFFFFFFF;
	(pc) =	sbr.abs _section_cstart, $3  }
0xc8: {  	[dreg:$0x1] =	wrdreg $0xFFFFFFFF  }
0xc9: {  	_ =	task.clear_ibuf [dreg:s9], $0x2FFFF;
	_ =	strace $0x9FFFFFFF  }
0xca: {  	(tm) =	ssettm $0x7FFFFFFF  }
0xcb: {  	_ =	shalt  }
tec
execute0_lowered:
.L_overlay_start_1:
0x0: {  	(tag) =	ssettag $0x1  }
0x1: {  	s16 =	rddreg [dreg:$0x0];
	s1 =	srdreg.scid  }
0x2: {  	s29 =	rddreg [dreg:$0x1];
	s3 =	stileid.u32;
	s1 =	sand.u32 $0x1, s1  }
0x3: {  	s2 =	simm.s32 $0x0;
	s3 =	sshll.u32 s3, $0xA;
	s4 =	sshll.u32 s1, $0x9  }
0x4: {  	[smem:$0x7FF] =	sst s2;
	s30 =	sor.u32 s4, s3  }
0x5: {  	s0 =	rddreg [dreg:$0x2];
	_ =	strace $0x80000047;
	s3 =	sadd.s32 s16, s30  }
0x6: {  	s4 =	sor.u32 $0x40000, s30;
	s18 =	sadd.s32 s0, s30;
	[dreg:$0x4] =	wrdreg s3  }
0x7: {  	s15 =	sor.u32 $0x80000, s30;
	s17 =	sadd.s32 s16, s4;
	[dreg:$0x6] =	wrdreg s18  }
0x8: {  	s19 =	sadd.s32 s16, s15;
	[dreg:$0x5] =	wrdreg s17  }
0x9: {  	[dreg:$0x7] =	wrdreg s19  }
0xa: {  	s23 =	sor.u32 $0x100000, s30;
	s22 =	sadd.s32 s0, s4;
	s5 =	rddreg [dreg:$0x4]  }
0xb: {  	s18 =	sor.u32 $0x20000, s30;
	s6 =	sadd.s32 s16, s23;
	[dreg:$0xa] =	wrdreg s22  }
0xc: {  	s20 =	sadd.s32 s0, s18;
	[dreg:$0xb] =	wrdreg s6  }
0xd: {  	s3 =	simm.s32 $0x1000;
	s19 =	sor.u32 $0xC0000, s30;
	[dreg:$0x8] =	wrdreg s20  }
0xe: {  	s4 =	simm.s32 $0x20000;
	s21 =	sadd.s32 s16, s19;
	s7 =	rddreg [dreg:$0x5]  }
0xf: {  	[tilespmem:s2], [sflag:$0x1] =	stream.strided.gather [hbm4b:s5+s3], $0x8000, s4, s3, $0x38;
	[tilespmem:$0x18000] =	vst v63  }
0x10: {  	s6 =	simm.s32 $0x1;
	s5 =	simm.s32 $0x8000;
	[dreg:$0x9] =	wrdreg s21  }
0x11: {  	[tilespmem:s5], [sflag:$0x2] =	stream.strided.gather [hbm4b:s7+s3], $0x8000, s4, s3, $0x38;
	[tilespmem:$0x18000] =	vst v63  }
0x12: {  	_ =	swait.ge [sflag:s6], $0x8000  }
0x13: {  	[sflag:s6] =	ssyncset.done $0x0  }
0x14: {  	s24 =	rddreg [dreg:$0x6];
	[sflag:s6] =	ssyncadd.s32 $0xFFFF8000  }
0x15: {  	[hbm4b:s24+s3] =	stream.strided.scatter [tilespmem:s2], [sflag:$0x4], $0x8000, s4, s3, $0x38;
	[tilespmem:$0x18000] =	vst v63  }
0x16: {  	s8 =	simm.s32 $0x2;
	s7 =	simm.s32 $0x10000;
	s9 =	rddreg [dreg:$0x7]  }
0x17: {  	[tilespmem:s7], [sflag:$0x3] =	stream.strided.gather [hbm4b:s9+s3], $0x8000, s4, s3, $0x38;
	[tilespmem:$0x18000] =	vst v63  }
0x18: {  	_ =	swait.ge [sflag:s8], $0x8000  }
0x19: {  	[sflag:s8] =	ssyncset.done $0x0  }
0x1a: {  	s9 =	simm.s32 $0x4;
	s10 =	rddreg [dreg:$0x8];
	[sflag:s8] =	ssyncadd.s32 $0xFFFF8000  }
0x1b: {  	[hbm4b:s10+s3] =	stream.strided.scatter [tilespmem:s5], [sflag:$0x5], $0x8000, s4, s3, $0x38;
	[tilespmem:$0x18000] =	vst v63  }
0x1c: {  	_ =	swait.ge [sflag:s9], $0x8000  }
0x1d: {  	[sflag:s9] =	ssyncset.done $0x0  }
0x1e: {  	s10 =	simm.s32 $0x3;
	s11 =	rddreg [dreg:$0x9];
	[sflag:s9] =	ssyncadd.s32 $0xFFFF8000  }
0x1f: {  	[tilespmem:s2], [sflag:$0x1] =	stream.strided.gather [hbm4b:s11+s3], $0x8000, s4, s3, $0x38;
	[tilespmem:$0x18000] =	vst v63  }
0x20: {  	_ =	swait.ge [sflag:s10], $0x8000  }
0x21: {  	[sflag:s10] =	ssyncset.done $0x0  }
0x22: {  	s11 =	simm.s32 $0x5;
	s12 =	rddreg [dreg:$0xa];
	[sflag:s10] =	ssyncadd.s32 $0xFFFF8000  }
0x23: {  	[hbm4b:s12+s3] =	stream.strided.scatter [tilespmem:s7], [sflag:$0x6], $0x8000, s4, s3, $0x38;
	[tilespmem:$0x18000] =	vst v63  }
0x24: {  	_ =	swait.ge [sflag:s11], $0x8000  }
0x25: {  	[sflag:s11] =	ssyncset.done $0x0  }
0x26: {  	s25 =	rddreg [dreg:$0xb];
	[sflag:s11] =	ssyncadd.s32 $0xFFFF8000  }
0x27: {  	[tilespmem:s5], [sflag:$0x2] =	stream.strided.gather [hbm4b:s25+s3], $0x8000, s4, s3, $0x38;
	[tilespmem:$0x18000] =	vst v63  }
0x28: {  	s20 =	sor.u32 $0x60000, s30;
	_ =	swait.ge [sflag:s6], $0x8000  }
0x29: {  	s26 =	sadd.s32 s0, s20;
	[sflag:s6] =	ssyncset.done $0x0  }
0x2a: {  	s13 =	simm.s32 $0x6;
	[dreg:$0xc] =	wrdreg s26;
	[sflag:s6] =	ssyncadd.s32 $0xFFFF8000  }
0x2b: {  	[hbm4b:s26+s3] =	stream.strided.scatter [tilespmem:s2], [sflag:$0x4], $0x8000, s4, s3, $0x38;
	[tilespmem:$0x18000] =	vst v63  }
0x2c: {  	_ =	swait.ge [sflag:s13], $0x8000  }
0x2d: {  	s28 =	sor.u32 $0x140000, s30;
	[sflag:s13] =	ssyncset.done $0x0  }
0x2e: {  	s14 =	sadd.s32 s16, s28;
	[sflag:s13] =	ssyncadd.s32 $0xFFFF8000  }
0x2f: {  	[tilespmem:s7], [sflag:$0x3] =	stream.strided.gather [hbm4b:s14+s3], $0x8000, s4, s3, $0x38;
	[tilespmem:$0x18000] =	vst v63  }
0x30: {  	_ =	swait.ge [sflag:s8], $0x8000  }
0x31: {  	[sflag:s8] =	ssyncset.done $0x0  }
0x32: {  	s15 =	sadd.s32 s0, s15;
	[sflag:s8] =	ssyncadd.s32 $0xFFFF8000  }
0x33: {  	[hbm4b:s15+s3] =	stream.strided.scatter [tilespmem:s5], [sflag:$0x5], $0x8000, s4, s3, $0x38;
	[tilespmem:$0x18000] =	vst v63  }
0x34: {  	_ =	swait.ge [sflag:s9], $0x8000  }
0x35: {  	s31 =	sor.u32 $0x180000, s30;
	[sflag:s9] =	ssyncset.done $0x0  }
0x36: {  	s16 =	sadd.s32 s16, s31;
	[sflag:s9] =	ssyncadd.s32 $0xFFFF8000  }
0x37: {  	[tilespmem:s2], [sflag:$0x1] =	stream.strided.gather [hbm4b:s16+s3], $0x8000, s4, s3, $0x38;
	[tilespmem:$0x18000] =	vst v63  }
0x38: {  	_ =	swait.ge [sflag:s10], $0x8000  }
0x39: {  	s22 =	sor.u32 $0xA0000, s30;
	[sflag:s10] =	ssyncset.done $0x0  }
0x3a: {  	s17 =	sadd.s32 s0, s22;
	[sflag:s10] =	ssyncadd.s32 $0xFFFF8000  }
0x3b: {  	[hbm4b:s17+s3] =	stream.strided.scatter [tilespmem:s7], [sflag:$0x6], $0x8000, s4, s3, $0x38;
	[tilespmem:$0x18000] =	vst v63  }
0x3c: {  	_ =	swait.ge [sflag:s11], $0x8000  }
0x3d: {  	[sflag:s11] =	ssyncset.done $0x0  }
0x3e: {  	s18 =	sadd.s32 s29, s18;
	[sflag:s11] =	ssyncadd.s32 $0xFFFF8000  }
0x3f: {  	[tilespmem:s5], [sflag:$0x2] =	stream.strided.gather [hbm4b:s18+s3], $0x8000, s4, s3, $0x38;
	[tilespmem:$0x18000] =	vst v63  }
0x40: {  	_ =	swait.ge [sflag:s6], $0x8000  }
0x41: {  	[sflag:s6] =	ssyncset.done $0x0  }
0x42: {  	s19 =	sadd.s32 s0, s19;
	[sflag:s6] =	ssyncadd.s32 $0xFFFF8000  }
0x43: {  	[hbm4b:s19+s3] =	stream.strided.scatter [tilespmem:s2], [sflag:$0x4], $0x8000, s4, s3, $0x38;
	[tilespmem:$0x18000] =	vst v63  }
0x44: {  	_ =	swait.ge [sflag:s13], $0x8000  }
0x45: {  	[sflag:s13] =	ssyncset.done $0x0  }
0x46: {  	s20 =	sadd.s32 s29, s20;
	[sflag:s13] =	ssyncadd.s32 $0xFFFF8000  }
0x47: {  	[tilespmem:s7], [sflag:$0x3] =	stream.strided.gather [hbm4b:s20+s3], $0x8000, s4, s3, $0x38;
	[tilespmem:$0x18000] =	vst v63  }
0x48: {  	_ =	swait.ge [sflag:s8], $0x8000  }
0x49: {  	s24 =	sor.u32 $0xE0000, s30;
	[sflag:s8] =	ssyncset.done $0x0  }
0x4a: {  	s21 =	sadd.s32 s0, s24;
	[sflag:s8] =	ssyncadd.s32 $0xFFFF8000  }
0x4b: {  	[hbm4b:s21+s3] =	stream.strided.scatter [tilespmem:s5], [sflag:$0x5], $0x8000, s4, s3, $0x38;
	[tilespmem:$0x18000] =	vst v63  }
0x4c: {  	_ =	swait.ge [sflag:s9], $0x8000  }
0x4d: {  	[sflag:s9] =	ssyncset.done $0x0  }
0x4e: {  	s22 =	sadd.s32 s29, s22;
	[sflag:s9] =	ssyncadd.s32 $0xFFFF8000  }
0x4f: {  	[tilespmem:s2], [sflag:$0x1] =	stream.strided.gather [hbm4b:s22+s3], $0x8000, s4, s3, $0x38;
	[tilespmem:$0x18000] =	vst v63  }
0x50: {  	_ =	swait.ge [sflag:s10], $0x8000  }
0x51: {  	[sflag:s10] =	ssyncset.done $0x0  }
0x52: {  	s23 =	sadd.s32 s0, s23;
	[sflag:s10] =	ssyncadd.s32 $0xFFFF8000  }
0x53: {  	[hbm4b:s23+s3] =	stream.strided.scatter [tilespmem:s7], [sflag:$0x6], $0x8000, s4, s3, $0x38;
	[tilespmem:$0x18000] =	vst v63  }
0x54: {  	_ =	swait.ge [sflag:s11], $0x8000  }
0x55: {  	[sflag:s11] =	ssyncset.done $0x0  }
0x56: {  	s24 =	sadd.s32 s29, s24;
	[sflag:s11] =	ssyncadd.s32 $0xFFFF8000  }
0x57: {  	[tilespmem:s5], [sflag:$0x2] =	stream.strided.gather [hbm4b:s24+s3], $0x8000, s4, s3, $0x38;
	[tilespmem:$0x18000] =	vst v63  }
0x58: {  	_ =	swait.ge [sflag:s6], $0x8000  }
0x59: {  	s26 =	sor.u32 $0x120000, s30;
	[sflag:s6] =	ssyncset.done $0x0  }
0x5a: {  	s25 =	sadd.s32 s0, s26;
	[sflag:s6] =	ssyncadd.s32 $0xFFFF8000  }
0x5b: {  	[hbm4b:s25+s3] =	stream.strided.scatter [tilespmem:s2], [sflag:$0x4], $0x8000, s4, s3, $0x38;
	[tilespmem:$0x18000] =	vst v63  }
0x5c: {  	_ =	swait.ge [sflag:s13], $0x8000  }
0x5d: {  	[sflag:s13] =	ssyncset.done $0x0  }
0x5e: {  	s26 =	sadd.s32 s29, s26;
	[sflag:s13] =	ssyncadd.s32 $0xFFFF8000  }
0x5f: {  	[tilespmem:s7], [sflag:$0x3] =	stream.strided.gather [hbm4b:s26+s3], $0x8000, s4, s3, $0x38;
	[tilespmem:$0x18000] =	vst v63  }
0x60: {  	_ =	swait.ge [sflag:s8], $0x8000  }
0x61: {  	[sflag:s8] =	ssyncset.done $0x0  }
0x62: {  	s28 =	sadd.s32 s0, s28;
	[sflag:s8] =	ssyncadd.s32 $0xFFFF8000  }
0x63: {  	[hbm4b:s28+s3] =	stream.strided.scatter [tilespmem:s5], [sflag:$0x5], $0x8000, s4, s3, $0x38;
	[tilespmem:$0x18000] =	vst v63  }
0x64: {  	_ =	swait.ge [sflag:s9], $0x8000  }
0x65: {  	s30 =	sor.u32 $0x160000, s30;
	[sflag:s9] =	ssyncset.done $0x0  }
0x66: {  	s29 =	sadd.s32 s29, s30;
	[sflag:s9] =	ssyncadd.s32 $0xFFFF8000  }
0x67: {  	[tilespmem:s2], [sflag:$0x1] =	stream.strided.gather [hbm4b:s29+s3], $0x8000, s4, s3, $0x38;
	[tilespmem:$0x18000] =	vst v63  }
0x68: {  	_ =	swait.ge [sflag:s10], $0x8000  }
0x69: {  	s12 =	ssub.s32 $0x2, s1;
	[sflag:s10] =	ssyncset.done $0x0  }
0x6a: {  	s1 =	sshrl.u32 s12, $0x1;
	s30 =	sadd.s32 s0, s30;
	[sflag:s10] =	ssyncadd.s32 $0xFFFF8000  }
0x6b: {  	[hbm4b:s30+s3] =	stream.strided.scatter [tilespmem:s7], [sflag:$0x6], $0x8000, s4, s3, $0x38;
	[tilespmem:$0x18000] =	vst v63  }
0x6c: {  	s31 =	sadd.s32 s0, s31;
	s0 =	ssub.s32 s12, s1;
	_ =	swait.ge [sflag:s6], $0x8000  }
0x6d: {  	s0 =	smax.u32 s0, $0x1;
	[sflag:s6] =	ssyncset.done $0x0  }
0x6e: {  	p0 =	sne.s32 s0, $0x1;
	[sflag:s6] =	ssyncadd.s32 $0xFFFF8000  }
0x6f: {  	[hbm4b:s31+s3] =	stream.strided.scatter [tilespmem:s2], [sflag:$0x4], $0x8000, s4, s3, $0x38;
	[tilespmem:$0x18000] =	vst v63  }
.Ltmp0:
0x70: {  	_ =	swait.ge [sflag:s13], $0x8000;
	(pc) =	sbr.rel @!p0 .LBB2_2-.Ltmp0, $4  }
0x71: {  	[sflag:s13] =	ssyncset.done $0x0  }
0x72: {  	[sflag:s13] =	ssyncadd.s32 $0xFFFF8000  }
0x73: {  	_ =	swait.ge [sflag:s9], $0x8000  }
0x74: {  	s0 =	sadd.s32 $0xFFFFFFFF, s0;
	[sflag:s9] =	ssyncset.done $0x0  }
.LBB2_1:
0x75: {  	s1 =	rddreg [dreg:$0x4];
	[sflag:s9] =	ssyncadd.s32 $0xFFFF8000  }
0x76: {  	[tilespmem:s2], [sflag:$0x1] =	stream.strided.gather [hbm4b:s1+s3], $0x8000, s4, s3, $0x38;
	[tilespmem:$0x18000] =	vst v63  }
0x77: {  	s12 =	rddreg [dreg:$0x5]  }
0x78: {  	[tilespmem:s5], [sflag:$0x2] =	stream.strided.gather [hbm4b:s12+s3], $0x8000, s4, s3, $0x38;
	[tilespmem:$0x18000] =	vst v63  }
0x79: {  	_ =	swait.ge [sflag:s6], $0x8000  }
0x7a: {  	[sflag:s6] =	ssyncset.done $0x0  }
0x7b: {  	s1 =	rddreg [dreg:$0x6];
	[sflag:s6] =	ssyncadd.s32 $0xFFFF8000  }
0x7c: {  	[hbm4b:s1+s3] =	stream.strided.scatter [tilespmem:s2], [sflag:$0x4], $0x8000, s4, s3, $0x38;
	[tilespmem:$0x18000] =	vst v63  }
0x7d: {  	s12 =	rddreg [dreg:$0x7]  }
0x7e: {  	[tilespmem:s7], [sflag:$0x3] =	stream.strided.gather [hbm4b:s12+s3], $0x8000, s4, s3, $0x38;
	[tilespmem:$0x18000] =	vst v63  }
0x7f: {  	_ =	swait.ge [sflag:s8], $0x8000  }
0x80: {  	[sflag:s8] =	ssyncset.done $0x0  }
0x81: {  	s12 =	rddreg [dreg:$0x8];
	[sflag:s8] =	ssyncadd.s32 $0xFFFF8000  }
0x82: {  	[hbm4b:s12+s3] =	stream.strided.scatter [tilespmem:s5], [sflag:$0x5], $0x8000, s4, s3, $0x38;
	[tilespmem:$0x18000] =	vst v63  }
0x83: {  	_ =	swait.ge [sflag:s9], $0x8000  }
0x84: {  	[sflag:s9] =	ssyncset.done $0x0  }
0x85: {  	s12 =	rddreg [dreg:$0x9];
	[sflag:s9] =	ssyncadd.s32 $0xFFFF8000  }
0x86: {  	[tilespmem:s2], [sflag:$0x1] =	stream.strided.gather [hbm4b:s12+s3], $0x8000, s4, s3, $0x38;
	[tilespmem:$0x18000] =	vst v63  }
0x87: {  	_ =	swait.ge [sflag:s10], $0x8000  }
0x88: {  	[sflag:s10] =	ssyncset.done $0x0  }
0x89: {  	s12 =	rddreg [dreg:$0xa];
	[sflag:s10] =	ssyncadd.s32 $0xFFFF8000  }
0x8a: {  	[hbm4b:s12+s3] =	stream.strided.scatter [tilespmem:s7], [sflag:$0x6], $0x8000, s4, s3, $0x38;
	[tilespmem:$0x18000] =	vst v63  }
0x8b: {  	_ =	swait.ge [sflag:s11], $0x8000  }
0x8c: {  	[sflag:s11] =	ssyncset.done $0x0  }
0x8d: {  	s12 =	rddreg [dreg:$0xb];
	[sflag:s11] =	ssyncadd.s32 $0xFFFF8000  }
0x8e: {  	[tilespmem:s5], [sflag:$0x2] =	stream.strided.gather [hbm4b:s12+s3], $0x8000, s4, s3, $0x38;
	[tilespmem:$0x18000] =	vst v63  }
0x8f: {  	_ =	swait.ge [sflag:s6], $0x8000  }
0x90: {  	[sflag:s6] =	ssyncset.done $0x0  }
0x91: {  	s12 =	rddreg [dreg:$0xc];
	[sflag:s6] =	ssyncadd.s32 $0xFFFF8000  }
0x92: {  	[hbm4b:s12+s3] =	stream.strided.scatter [tilespmem:s2], [sflag:$0x4], $0x8000, s4, s3, $0x38;
	[tilespmem:$0x18000] =	vst v63  }
0x93: {  	_ =	swait.ge [sflag:s13], $0x8000  }
0x94: {  	[sflag:s13] =	ssyncset.done $0x0  }
0x95: {  	[sflag:s13] =	ssyncadd.s32 $0xFFFF8000  }
0x96: {  	[tilespmem:s7], [sflag:$0x3] =	stream.strided.gather [hbm4b:s14+s3], $0x8000, s4, s3, $0x38;
	[tilespmem:$0x18000] =	vst v63  }
0x97: {  	_ =	swait.ge [sflag:s8], $0x8000  }
0x98: {  	[sflag:s8] =	ssyncset.done $0x0  }
0x99: {  	[sflag:s8] =	ssyncadd.s32 $0xFFFF8000  }
0x9a: {  	[hbm4b:s15+s3] =	stream.strided.scatter [tilespmem:s5], [sflag:$0x5], $0x8000, s4, s3, $0x38;
	[tilespmem:$0x18000] =	vst v63  }
0x9b: {  	_ =	swait.ge [sflag:s9], $0x8000  }
0x9c: {  	[sflag:s9] =	ssyncset.done $0x0  }
0x9d: {  	[sflag:s9] =	ssyncadd.s32 $0xFFFF8000  }
0x9e: {  	[tilespmem:s2], [sflag:$0x1] =	stream.strided.gather [hbm4b:s16+s3], $0x8000, s4, s3, $0x38;
	[tilespmem:$0x18000] =	vst v63  }
0x9f: {  	_ =	swait.ge [sflag:s10], $0x8000  }
0xa0: {  	[sflag:s10] =	ssyncset.done $0x0  }
0xa1: {  	[sflag:s10] =	ssyncadd.s32 $0xFFFF8000  }
0xa2: {  	[hbm4b:s17+s3] =	stream.strided.scatter [tilespmem:s7], [sflag:$0x6], $0x8000, s4, s3, $0x38;
	[tilespmem:$0x18000] =	vst v63  }
0xa3: {  	_ =	swait.ge [sflag:s11], $0x8000  }
0xa4: {  	[sflag:s11] =	ssyncset.done $0x0  }
0xa5: {  	[sflag:s11] =	ssyncadd.s32 $0xFFFF8000  }
0xa6: {  	[tilespmem:s5], [sflag:$0x2] =	stream.strided.gather [hbm4b:s18+s3], $0x8000, s4, s3, $0x38;
	[tilespmem:$0x18000] =	vst v63  }
0xa7: {  	_ =	swait.ge [sflag:s6], $0x8000  }
0xa8: {  	[sflag:s6] =	ssyncset.done $0x0  }
0xa9: {  	[sflag:s6] =	ssyncadd.s32 $0xFFFF8000  }
0xaa: {  	[hbm4b:s19+s3] =	stream.strided.scatter [tilespmem:s2], [sflag:$0x4], $0x8000, s4, s3, $0x38;
	[tilespmem:$0x18000] =	vst v63  }
0xab: {  	_ =	swait.ge [sflag:s13], $0x8000  }
0xac: {  	[sflag:s13] =	ssyncset.done $0x0  }
0xad: {  	[sflag:s13] =	ssyncadd.s32 $0xFFFF8000  }
0xae: {  	[tilespmem:s7], [sflag:$0x3] =	stream.strided.gather [hbm4b:s20+s3], $0x8000, s4, s3, $0x38;
	[tilespmem:$0x18000] =	vst v63  }
0xaf: {  	_ =	swait.ge [sflag:s8], $0x8000  }
0xb0: {  	[sflag:s8] =	ssyncset.done $0x0  }
0xb1: {  	[sflag:s8] =	ssyncadd.s32 $0xFFFF8000  }
0xb2: {  	[hbm4b:s21+s3] =	stream.strided.scatter [tilespmem:s5], [sflag:$0x5], $0x8000, s4, s3, $0x38;
	[tilespmem:$0x18000] =	vst v63  }
0xb3: {  	_ =	swait.ge [sflag:s9], $0x8000  }
0xb4: {  	[sflag:s9] =	ssyncset.done $0x0  }
0xb5: {  	[sflag:s9] =	ssyncadd.s32 $0xFFFF8000  }
0xb6: {  	[tilespmem:s2], [sflag:$0x1] =	stream.strided.gather [hbm4b:s22+s3], $0x8000, s4, s3, $0x38;
	[tilespmem:$0x18000] =	vst v63  }
0xb7: {  	_ =	swait.ge [sflag:s10], $0x8000  }
0xb8: {  	[sflag:s10] =	ssyncset.done $0x0  }
0xb9: {  	[sflag:s10] =	ssyncadd.s32 $0xFFFF8000  }
0xba: {  	[hbm4b:s23+s3] =	stream.strided.scatter [tilespmem:s7], [sflag:$0x6], $0x8000, s4, s3, $0x38;
	[tilespmem:$0x18000] =	vst v63  }
0xbb: {  	_ =	swait.ge [sflag:s11], $0x8000  }
0xbc: {  	[sflag:s11] =	ssyncset.done $0x0  }
0xbd: {  	[sflag:s11] =	ssyncadd.s32 $0xFFFF8000  }
0xbe: {  	[tilespmem:s5], [sflag:$0x2] =	stream.strided.gather [hbm4b:s24+s3], $0x8000, s4, s3, $0x38;
	[tilespmem:$0x18000] =	vst v63  }
0xbf: {  	_ =	swait.ge [sflag:s6], $0x8000  }
0xc0: {  	[sflag:s6] =	ssyncset.done $0x0  }
0xc1: {  	[sflag:s6] =	ssyncadd.s32 $0xFFFF8000  }
0xc2: {  	[hbm4b:s25+s3] =	stream.strided.scatter [tilespmem:s2], [sflag:$0x4], $0x8000, s4, s3, $0x38;
	[tilespmem:$0x18000] =	vst v63  }
0xc3: {  	_ =	swait.ge [sflag:s13], $0x8000  }
0xc4: {  	[sflag:s13] =	ssyncset.done $0x0  }
0xc5: {  	[sflag:s13] =	ssyncadd.s32 $0xFFFF8000  }
0xc6: {  	[tilespmem:s7], [sflag:$0x3] =	stream.strided.gather [hbm4b:s26+s3], $0x8000, s4, s3, $0x38;
	[tilespmem:$0x18000] =	vst v63  }
0xc7: {  	_ =	swait.ge [sflag:s8], $0x8000  }
0xc8: {  	[sflag:s8] =	ssyncset.done $0x0  }
0xc9: {  	[sflag:s8] =	ssyncadd.s32 $0xFFFF8000  }
0xca: {  	[hbm4b:s28+s3] =	stream.strided.scatter [tilespmem:s5], [sflag:$0x5], $0x8000, s4, s3, $0x38;
	[tilespmem:$0x18000] =	vst v63  }
0xcb: {  	_ =	swait.ge [sflag:s9], $0x8000  }
0xcc: {  	[sflag:s9] =	ssyncset.done $0x0  }
0xcd: {  	[sflag:s9] =	ssyncadd.s32 $0xFFFF8000  }
0xce: {  	[tilespmem:s2], [sflag:$0x1] =	stream.strided.gather [hbm4b:s29+s3], $0x8000, s4, s3, $0x38;
	[tilespmem:$0x18000] =	vst v63  }
0xcf: {  	_ =	swait.ge [sflag:s10], $0x8000  }
0xd0: {  	[sflag:s10] =	ssyncset.done $0x0  }
0xd1: {  	[sflag:s10] =	ssyncadd.s32 $0xFFFF8000  }
0xd2: {  	[hbm4b:s30+s3] =	stream.strided.scatter [tilespmem:s7], [sflag:$0x6], $0x8000, s4, s3, $0x38;
	[tilespmem:$0x18000] =	vst v63  }
0xd3: {  	_ =	swait.ge [sflag:s6], $0x8000  }
0xd4: {  	[sflag:s6] =	ssyncset.done $0x0  }
0xd5: {  	p0 =	sne.s32 s0, $0x1;
	[sflag:s6] =	ssyncadd.s32 $0xFFFF8000  }
0xd6: {  	[hbm4b:s31+s3] =	stream.strided.scatter [tilespmem:s2], [sflag:$0x4], $0x8000, s4, s3, $0x38;
	[tilespmem:$0x18000] =	vst v63  }
.Ltmp1:
0xd7: {  	_ =	swait.ge [sflag:s13], $0x8000;
	(pc) =	sbr.rel @p0 .LBB2_1-.Ltmp1, $4  }
0xd8: {  	[sflag:s13] =	ssyncset.done $0x0  }
0xd9: {  	[sflag:s13] =	ssyncadd.s32 $0xFFFF8000  }
0xda: {  	_ =	swait.ge [sflag:s9], $0x8000  }
0xdb: {  	s0 =	sadd.s32 $0xFFFFFFFF, s0;
	[sflag:s9] =	ssyncset.done $0x0  }
.LBB2_2:
0xdc: {  	[sflag:s9] =	ssyncadd.s32 $0xFFFF8000  }
0xdd: {  	_ =	sfence.sel $0x180000  }
0xde: {  	[bflag:$0x0] =	sbarrier.arrive $0xFFFF  }
0xdf: {  	_ =	strace $0x90000047  }
0xe0: {  	s0 =	stileid.u32;
	[bflag:$0x2] =	sbarrier.arrive $0xFFFF  }
0xe1: {  	p0 =	sne.s32 s0, $0x0;
	s0 =	rddreg [dreg:$0x3]  }
0xe2: {  	s0 =	sadd.s32 @!p0 $0x100000, s0  }
0xe3: {  	[sflag:s0] =	ssyncadd.tile.s32 @!p0 $0x1;
	_ =	shalt  }
.Lfunc_end2:
_tile_overlayer_lowered:
.L_overlay_start_2:
0xe4: {  	(tag) =	ssettag $0x2  }
0xe5: {  	s0 =	rddreg [dreg:$0x0];
	s2 =	stileid.u32  }
0xe6: {  	s1 =	rddreg [dreg:$0x1];
	p0 =	sne.s32 s2, $0x0  }
0xe7: {  	s3 =	rddreg [dreg:$0x2];
	[bflag:$0x3] =	sbarrier.arrive $0xFFFF;
	s2 =	simm.s32 @!p0 $0x1C07  }
0xe8: {  	[timem:s3], [sflag:s2] =	dma.local @!p0 [hbm:s0], s1  }
0xe9: {  	s0 =	simm.s32 @!p0 $0x7  }
0xea: {  	_ =	swait.ge @!p0 [sflag:s0], s1  }
0xeb: {  	s1 =	ssub.s32 @!p0 $0x0, s1;
	[sflag:s0] =	ssyncset.done @!p0 $0x0  }
0xec: {  	[sflag:s0] =	ssyncadd.s32 @!p0 s1  }
0xed: {  	[bflag:$0x3] =	sbarrier.arrive $0xFFFF  }
0xee: {  	_ =	shalt  }

</sc_bundles>
